<compile_context>
chip_gen: v7x
topology: tpu7x:2x2x1
jax: 0.10.2.dev20260603
libtpu: 0.0.44.dev20260713+nightly
codegen_flags: <defaults>
</compile_context>

<pallas_src>
import functools

import jax
import jax.numpy as jnp
import numpy as np
from jax import lax
from jax.experimental import pallas as pl
from jax.experimental.pallas import tpu as pltpu
from jax.experimental.pallas import tpu_sc as plsc

N = 10000
K = 30
D_PRIM = 20
D_ANG = 6
RBF_K = 16
MAX_D = 20.0
HID = 128
OUT = 20
NPROT = 32
TROW = 32
CHUNK = 128
NB = 1000

_NC = 2
_NS = 16
_NW = _NC * _NS


def _sc_gather(table, idx3d):
    _, ch_per_w, _ = idx3d.shape
    n_rows_total = _NW * ch_per_w
    nj = ch_per_w // 2
    mesh = plsc.VectorSubcoreMesh(core_axis_name="c", subcore_axis_name="s")

    @functools.partial(
        pl.kernel,
        out_type=jax.ShapeDtypeStruct((n_rows_total * CHUNK, TROW), jnp.bfloat16),
        mesh=mesh,
        scratch_types=[
            pltpu.VMEM((ch_per_w, CHUNK), jnp.int32),
            pltpu.VMEM((CHUNK, TROW), jnp.bfloat16),
            pltpu.VMEM((CHUNK, TROW), jnp.bfloat16),
            pltpu.SemaphoreType.DMA,
        ],
        compiler_params=pltpu.CompilerParams(use_tc_tiling_on_sc=False),
    )
    def gather_kernel(table_h, idx_h, out_h, idx_v, buf0, buf1, gsem):
        wid = lax.axis_index("s") * _NC + lax.axis_index("c")
        row0 = wid * (ch_per_w * CHUNK)
        pltpu.sync_copy(idx_h.at[wid], idx_v)
        pltpu.async_copy(table_h.at[idx_v.at[0]], buf0, gsem)

        def step(j, carry):
            pltpu.async_copy(table_h.at[idx_v.at[2 * j + 1]], buf1, gsem)
            pltpu.make_async_copy(table_h.at[idx_v.at[0]], buf0, gsem).wait()
            pltpu.sync_copy(buf0, out_h.at[pl.ds(row0 + (2 * j) * CHUNK, CHUNK)])

            @pl.when(j < nj - 1)
            def _():
                pltpu.async_copy(table_h.at[idx_v.at[2 * j + 2]], buf0, gsem)

            pltpu.make_async_copy(table_h.at[idx_v.at[0]], buf1, gsem).wait()
            pltpu.sync_copy(buf1, out_h.at[pl.ds(row0 + (2 * j + 1) * CHUNK, CHUNK)])
            return carry

        lax.fori_loop(0, nj, step, 0)

    return gather_kernel(table, idx3d)


def _tc_body(g_ref, o_ref, p_ref, pi_ref,
             w1x, w1r, w1x0, w1r0, b1, w2, b2, w3, b3, w4, b4,
             wo1, bo1, wo2, bo2, wo3, bo3, wo4, bo4,
             out_ref, acc_ref):
    i = pl.program_id(0)
    ngrid = pl.num_programs(0)
    bf = jnp.bfloat16

    def dot(a, b):
        return lax.dot_general(a, b, (((1,), (0,)), ((), ())),
                               preferred_element_type=jnp.float32)

    @pl.when(i == 0)
    def _():
        acc_ref[...] = jnp.zeros_like(acc_ref)

    sigma = MAX_D / (RBF_K - 1)
    centers = (lax.broadcasted_iota(jnp.int32, (1, RBF_K), 1)
               .astype(jnp.float32) * np.float32(sigma))
    neg_inv_2s2 = np.float32(-1.0 / (2.0 * sigma * sigma))

    o0 = o_ref[:, 0:1]
    o1 = o_ref[:, 1:2]
    o2 = o_ref[:, 2:3]

    def edge_feats(g):
        x26 = g[:, 0:26]
        d2 = ((o0 - g[:, 26:27].astype(jnp.float32)) ** 2
              + (o1 - g[:, 27:28].astype(jnp.float32)) ** 2
              + (o2 - g[:, 28:29].astype(jnp.float32)) ** 2)
        dist = jnp.sqrt(d2 + 1e-12)
        rbf = jnp.exp((dist - centers) ** 2 * neg_inv_2s2).astype(bf)
        return x26, rbf

    g0 = g_ref[0]
    x26_0, rbf_0 = edge_feats(g0)
    f01 = dot(x26_0, w1x0[...]) + dot(rbf_0, w1r0[...]) + b1[...]

    def edge_mlp(k):
        g = g_ref[k]
        x26, rbf = edge_feats(g)
        hu = jax.nn.relu(dot(x26, w1x[...]) + dot(rbf, w1r[...])
                         + f01).astype(bf)
        hu = jax.nn.relu(dot(hu, w2[...]) + b2[...]).astype(bf)
        hu = jax.nn.relu(dot(hu, w3[...]) + b3[...]).astype(bf)
        pw = dot(hu, w4[...]) + b4[...]
        return (pw[:, 0:HID] * pw[:, HID:HID + 1]).astype(bf)

    def k2step(j, acc):
        prodcat = jnp.concatenate([edge_mlp(2 * j), edge_mlp(2 * j + 1)],
                                  axis=1)
        return acc + dot(prodcat, wo1[j])

    acc = lax.fori_loop(0, K // 2, k2step, jnp.zeros((NB, 300), jnp.float32),
                        unroll=5)

    h = jax.nn.relu(acc + bo1[...])
    h = jax.nn.relu(dot(h, wo2[...]) + bo2[...])
    h = jax.nn.relu(dot(h, wo3[...]) + bo3[...])
    o20 = dot(h, wo4[...]) + bo4[...]

    prim = p_ref[...]
    lane20 = lax.broadcasted_iota(jnp.int32, (NB, OUT), 1)
    mx = jnp.max(prim, axis=1, keepdims=True)
    am = jnp.min(jnp.where(prim == mx, lane20, OUT), axis=1, keepdims=True)
    energy = jnp.sum(jnp.where(lane20 == am, o20, 0.0), axis=1, keepdims=True)

    seg = lax.broadcasted_iota(jnp.int32, (NB, NPROT), 1)
    onehot = (pi_ref[...] == seg).astype(jnp.float32)
    e2 = jnp.concatenate([energy, jnp.ones((NB, 1), jnp.float32)], axis=1)
    contrib = lax.dot_general(onehot, e2, (((0,), (0,)), ((), ())))
    acc_ref[:, 0:2] += contrib

    @pl.when(i == ngrid - 1)
    def _():
        s = acc_ref[:, 0:1]
        c = acc_ref[:, 1:2]
        out_ref[...] = s / jnp.maximum(c, 1.0)


def _tc_main(gt, orientation, primary, prot2d, weights):
    ngrid = N // NB
    const = lambda *shape: pl.BlockSpec(shape, lambda i: tuple(0 for _ in shape))
    in_specs = [
        pl.BlockSpec((K, NB, TROW), lambda i: (0, i, 0)),
        pl.BlockSpec((NB, 3), lambda i: (i, 0)),
        pl.BlockSpec((NB, D_PRIM), lambda i: (i, 0)),
        pl.BlockSpec((NB, 1), lambda i: (i, 0)),
    ] + [const(*w.shape) for w in weights]
    return pl.pallas_call(
        _tc_body,
        grid=(ngrid,),
        in_specs=in_specs,
        out_specs=pl.BlockSpec((NPROT, 1), lambda i: (0, 0)),
        out_shape=jax.ShapeDtypeStruct((NPROT, 1), jnp.float32),
        scratch_shapes=[pltpu.VMEM((NPROT, 128), jnp.float32)],
        compiler_params=pltpu.CompilerParams(
            dimension_semantics=("arbitrary",)),
    )(gt, orientation, primary, prot2d, *weights)


def kernel(primary, gt_ignore, angles, orientation, connections,
           protein_indices, feat_params, weight_params, out_params):
    f32 = jnp.float32
    table = jnp.concatenate(
        [primary, angles, orientation,
         jnp.zeros((N, TROW - D_PRIM - D_ANG - 3), f32)],
        axis=1).astype(jnp.bfloat16)

    idx_t = jnp.transpose(connections).reshape(-1)
    per_round = _NW * CHUNK
    ch_total = -(-(K * N) // per_round) * _NW
    n_pad = ch_total * CHUNK - K * N
    idx_pad = jnp.concatenate(
        [idx_t, jnp.zeros((n_pad,), jnp.int32)]).reshape(
            _NW, ch_total // _NW, CHUNK)

    g_flat = _sc_gather(table, idx_pad)
    gt = g_flat[: K * N].reshape(K, N, TROW)

    (w1f, b1f), (w2f, b2f), (w3f, b3f), (w4f, b4f) = feat_params
    (w1w, b1w), (w2w, b2w), (w3w, b3w), (w4w, b4w) = weight_params
    (wo1, bo1), (wo2, bo2), (wo3, bo3), (wo4, bo4) = out_params
    r = lambda b: b.reshape(1, -1)
    bf = jnp.bfloat16
    c = lambda w: w.astype(bf)
    z128 = jnp.zeros((HID, HID), jnp.float32)
    blk = lambda a, b: jnp.concatenate(
        [jnp.concatenate([a, z128], axis=1),
         jnp.concatenate([z128, b], axis=1)], axis=0)
    w4cat = jnp.concatenate(
        [jnp.concatenate([w4f, jnp.zeros((HID, 1), jnp.float32)], axis=1),
         jnp.concatenate([z128, w4w], axis=1)], axis=0)
    weights = [
        c(jnp.concatenate([w1f[0:26], w1w[0:26]], axis=1)),
        c(jnp.concatenate([w1f[26:42], w1w[26:42]], axis=1)),
        c(jnp.concatenate([w1f[42:68], w1w[42:68]], axis=1)),
        c(jnp.concatenate([w1f[68:84], w1w[68:84]], axis=1)),
        jnp.concatenate([r(b1f), r(b1w)], axis=1),
        c(blk(w2f, w2w)), jnp.concatenate([r(b2f), r(b2w)], axis=1),
        c(blk(w3f, w3w)), jnp.concatenate([r(b3f), r(b3w)], axis=1),
        c(w4cat), jnp.concatenate([r(b4f), r(b4w)], axis=1),
        c(wo1.reshape(K // 2, 2 * HID, 300)), r(bo1), wo2, r(bo2), wo3, r(bo3),
        wo4, r(bo4),
    ]
    prot2d = protein_indices.reshape(N, 1)
    return _tc_main(gt, orientation, primary, prot2d, weights)

# --- scband reference (transcript-rebuilt; emitter-appended) ---
"""Pipeline reference for scband-sequence-ebm-9328668967425 (READ-ONLY COPY).

The authoritative reference and input builder live on the scoring server;
editing this copy changes nothing except your own understanding.
"""

import jax, jax.numpy as jnp
import numpy as np

N = 10000
K = 30
D_PRIM = 20
D_ANG = 6
RBF_K = 16
MAX_D = 20.0
HID = 128
OUT = 20
NPROT = 32
D_FEAT = D_PRIM + D_ANG + RBF_K  # 42
IN2 = 2 * D_FEAT  # 84, matches MLP(2*in_size, ...)


def _init_linear(key, din, dout):
    kw, kb = jax.random.split(key)
    W = jax.random.normal(kw, (din, dout), jnp.float32) * (1.0 / np.sqrt(din))
    b = jnp.zeros((dout,), jnp.float32)
    return (W, b)


def _init_mlp(key, sizes):
    keys = jax.random.split(key, len(sizes) - 1)
    return tuple(_init_linear(k, a, b) for k, a, b in zip(keys, sizes[:-1], sizes[1:]))


def _mlp(params, x):
    for W, b in params[:-1]:
        x = jax.nn.relu(x @ W + b)
    W, b = params[-1]
    return x @ W + b


def _rbf(d):
    centers = jnp.linspace(0.0, MAX_D, RBF_K)
    sigma = MAX_D / (RBF_K - 1)
    return jnp.exp(-((d[..., None] - centers) ** 2) / (2.0 * sigma * sigma))


def setup_inputs(seed: int = 0):
    key = jax.random.key(seed)
    ks = jax.random.split(key, 8)
    primary = jax.random.uniform(ks[0], (N, D_PRIM), jnp.float32)
    gt_ignore = jnp.zeros((N,), jnp.float32)
    angles = jax.random.normal(ks[1], (N, D_ANG), jnp.float32)
    orientation = jax.random.normal(ks[2], (N, 3), jnp.float32)
    connections = jax.random.randint(ks[3], (N, K), 0, N, dtype=jnp.int32)
    protein_indices = jnp.sort(jax.random.randint(ks[4], (N,), 0, NPROT, dtype=jnp.int32))
    feat_params = _init_mlp(ks[5], (IN2, HID, HID, HID, HID))
    weight_params = _init_mlp(ks[6], (IN2, HID, HID, HID, 1))
    out_params = _init_mlp(ks[7], (HID * K, 300, HID, HID, OUT))
    return {
        'primary': primary,
        'gt_ignore': gt_ignore,
        'angles': angles,
        'orientation': orientation,
        'connections': connections,
        'protein_indices': protein_indices,
        'feat_params': feat_params,
        'weight_params': weight_params,
        'out_params': out_params,
    }


def reference(primary, gt_ignore, angles, orientation, connections, protein_indices, feat_params, weight_params, out_params):
    idx = connections                         # [N, K]
    prim_n = jnp.take(primary, idx, axis=0)   # gather: [N, K, 20]
    ang_n = jnp.take(angles, idx, axis=0)     # gather: [N, K, 6]
    pos_n = jnp.take(orientation, idx, axis=0)  # gather: [N, K, 3]
    diff = orientation[:, None, :] - pos_n
    dist = jnp.sqrt(jnp.sum(diff * diff, axis=-1) + 1e-12)
    orient_feat = _rbf(dist)                  # relative-structure RBF message: [N, K, 16]
    features = jnp.concatenate((prim_n, ang_n, orient_feat), axis=2)  # [N, K, 42]
    features = jnp.transpose(features, (0, 2, 1))                     # [N, 42, K]
    first = jnp.broadcast_to(features[:, :, 0:1], features.shape)
    inputs = jnp.concatenate((features, first), axis=1)               # [N, 84, K]
    in_view = jnp.transpose(inputs, (0, 2, 1)).reshape(-1, IN2)       # [N*K, 84]
    p = _mlp(feat_params, in_view)            # [N*K, 128]
    w = _mlp(weight_params, in_view)          # [N*K, 1]
    prod = p * w
    cat = prod.reshape(N, -1)                 # [N, 3840]
    out = _mlp(out_params, cat)               # [N, 20]
    this_energy = out[jnp.arange(N), jnp.argmax(primary, axis=1)]     # [N]
    seg_sum = jax.ops.segment_sum(this_energy[:, None], protein_indices, num_segments=NPROT)
    counts = jax.ops.segment_sum(jnp.ones((N, 1), jnp.float32), protein_indices, num_segments=NPROT)
    return seg_sum / jnp.maximum(counts, 1.0)  # scatter.mean over protein ids: [NPROT, 1]

if __name__ == "__main__":
    import jax
    _d = setup_inputs()
    print(jax.jit(kernel)(*tuple(_d.values())))

</pallas_src>

<mosaic_0001>
#map = affine_map<(d0, d1) -> (0, 0)>
#map1 = affine_map<(d0, d1) -> (0, 0, 0)>
module attributes {stable_mosaic.version = 14 : i64} {
  func.func @gather_kernel(%arg0: i32, %arg1: i32, %arg2: memref<10000x32xbf16, #tpu.memory_space<hbm>>, %arg3: memref<32x74x128xi32, #tpu.memory_space<hbm>>, %arg4: memref<303104x32xbf16, #tpu.memory_space<hbm>>, %arg5: memref<74x128xi32, #tpu.memory_space<vmem>>, %arg6: memref<128x32xbf16, #tpu.memory_space<vmem>>, %arg7: memref<128x32xbf16, #tpu.memory_space<vmem>>, %arg8: memref<!tpu.dma_semaphore, #tpu.memory_space<semaphore_mem>>) attributes {dimension_semantics = [#tpu.dimension_semantics<core_parallel>, #tpu.dimension_semantics<subcore_parallel>], iteration_bounds = array<i64: 2, 16>, scalar_prefetch = 0 : i64, scratch_operands = 4 : i64, tpu.core_type = #tpu.core_type<sc_vector_subcore>, window_params = [{transform_indices = #map}, {transform_indices = #map1}, {transform_indices = #map}]} {
    %mul3A = arith.constant 2 : i32
    %mul3A_0 = arith.muli %arg1, %mul3A : i32
    %add3A = arith.addi %mul3A_0, %arg0 : i32
    %mul3A_1 = arith.constant 9472 : i32
    %mul3A_2 = arith.muli %add3A, %mul3A_1 : i32
    "tpu.region"() ({
      %run_scoped3A = tpu.sem_alloc : memref<!tpu.dma_semaphore, #tpu.memory_space<semaphore_mem>>
      %dma_start3A_14 = arith.constant 0 : i32
      %dma_start3A_15 = arith.constant 0 : i32
      %dma_start3A_16 = tpu.memref_slice %arg3[%add3A, %dma_start3A_14, %dma_start3A_15] : memref<32x74x128xi32, #tpu.memory_space<hbm>> -> memref<1x74x128xi32, #tpu.memory_space<hbm>>
      %dma_start3A_17 = tpu.memref_squeeze %dma_start3A_16 : memref<1x74x128xi32, #tpu.memory_space<hbm>> -> memref<74x128xi32, #tpu.memory_space<hbm>>
      %dma_start3A_18 = arith.constant 0 : i32
      %dma_start3A_19 = arith.constant 0 : i32
      %dma_start3A_20 = tpu.memref_slice %arg3[%add3A, %dma_start3A_18, %dma_start3A_19] : memref<32x74x128xi32, #tpu.memory_space<hbm>> -> memref<1x74x128xi32, #tpu.memory_space<hbm>>
      %dma_start3A_21 = tpu.memref_squeeze %dma_start3A_20 : memref<1x74x128xi32, #tpu.memory_space<hbm>> -> memref<74x128xi32, #tpu.memory_space<hbm>>
      tpu.enqueue_dma source(%dma_start3A_21 : memref<74x128xi32, #tpu.memory_space<hbm>>) target(%arg5 : memref<74x128xi32, #tpu.memory_space<vmem>>) target_semaphore(%run_scoped3A : memref<!tpu.dma_semaphore, #tpu.memory_space<semaphore_mem>>)
      %dma_wait3A = arith.constant 0 : i32
      %dma_wait3A_22 = arith.constant 0 : i32
      %dma_wait3A_23 = tpu.memref_slice %arg3[%add3A, %dma_wait3A, %dma_wait3A_22] : memref<32x74x128xi32, #tpu.memory_space<hbm>> -> memref<1x74x128xi32, #tpu.memory_space<hbm>>
      %dma_wait3A_24 = tpu.memref_squeeze %dma_wait3A_23 : memref<1x74x128xi32, #tpu.memory_space<hbm>> -> memref<74x128xi32, #tpu.memory_space<hbm>>
      %dma_wait3A_25 = arith.constant 0 : i32
      %dma_wait3A_26 = arith.constant 0 : i32
      %dma_wait3A_27 = tpu.memref_slice %arg3[%add3A, %dma_wait3A_25, %dma_wait3A_26] : memref<32x74x128xi32, #tpu.memory_space<hbm>> -> memref<1x74x128xi32, #tpu.memory_space<hbm>>
      %dma_wait3A_28 = tpu.memref_squeeze %dma_wait3A_27 : memref<1x74x128xi32, #tpu.memory_space<hbm>> -> memref<74x128xi32, #tpu.memory_space<hbm>>
      tpu.wait_dma2 semaphore(%run_scoped3A : memref<!tpu.dma_semaphore, #tpu.memory_space<semaphore_mem>>) src(%dma_wait3A_28 : memref<74x128xi32, #tpu.memory_space<hbm>>) dst(%arg5 : memref<74x128xi32, #tpu.memory_space<vmem>>)
      tpu.yield
    }) : () -> ()
    %dma_start3A = arith.constant 0 : i32
    %dma_start3A_3 = arith.constant 0 : i32
    %dma_start3A_4 = tpu.memref_slice %arg5[%dma_start3A, %dma_start3A_3] : memref<74x128xi32, #tpu.memory_space<vmem>> -> memref<1x128xi32, #tpu.memory_space<vmem>>
    %dma_start3A_5 = tpu.memref_squeeze %dma_start3A_4 : memref<1x128xi32, #tpu.memory_space<vmem>> -> memref<128xi32, #tpu.memory_space<vmem>>
    %dma_start3A_6 = arith.constant 0 : i32
    %dma_start3A_7 = arith.constant 0 : i32
    %dma_start3A_8 = tpu.memref_slice %arg2[%dma_start3A_6, %dma_start3A_7] : memref<10000x32xbf16, #tpu.memory_space<hbm>> -> memref<10000x32xbf16, #tpu.memory_space<hbm>>
    tpu.enqueue_indirect_dma source(%dma_start3A_8 : memref<10000x32xbf16, #tpu.memory_space<hbm>>) target(%arg6 : memref<128x32xbf16, #tpu.memory_space<vmem>>) offsets(%dma_start3A_5 : memref<128xi32, #tpu.memory_space<vmem>>) semaphore(%arg8 : memref<!tpu.dma_semaphore, #tpu.memory_space<semaphore_mem>>)
    %scan3A = arith.constant 0 : i32
    %scan3A_9 = arith.constant 0 : i32
    %scan3A_10 = arith.constant 37 : i32
    %scan3A_11 = arith.addi %scan3A_9, %scan3A_10 : i32
    %scan3A_12 = arith.constant 1 : i32
    scf.for %scan3A_14 = %scan3A_9 to %scan3A_11 step %scan3A_12  : i32 {
      %mul3A_15 = arith.constant 2 : i32
      %mul3A_16 = arith.muli %mul3A_15, %scan3A_14 : i32
      %add3A_17 = arith.constant 1 : i32
      %add3A_18 = arith.addi %mul3A_16, %add3A_17 : i32
      %dma_start3A_19 = arith.constant 0 : i32
      %dma_start3A_20 = tpu.memref_slice %arg5[%add3A_18, %dma_start3A_19] : memref<74x128xi32, #tpu.memory_space<vmem>> -> memref<1x128xi32, #tpu.memory_space<vmem>>
      %dma_start3A_21 = tpu.memref_squeeze %dma_start3A_20 : memref<1x128xi32, #tpu.memory_space<vmem>> -> memref<128xi32, #tpu.memory_space<vmem>>
      %dma_start3A_22 = arith.constant 0 : i32
      %dma_start3A_23 = arith.constant 0 : i32
      %dma_start3A_24 = tpu.memref_slice %arg2[%dma_start3A_22, %dma_start3A_23] : memref<10000x32xbf16, #tpu.memory_space<hbm>> -> memref<10000x32xbf16, #tpu.memory_space<hbm>>
      tpu.enqueue_indirect_dma source(%dma_start3A_24 : memref<10000x32xbf16, #tpu.memory_space<hbm>>) target(%arg7 : memref<128x32xbf16, #tpu.memory_space<vmem>>) offsets(%dma_start3A_21 : memref<128xi32, #tpu.memory_space<vmem>>) semaphore(%arg8 : memref<!tpu.dma_semaphore, #tpu.memory_space<semaphore_mem>>)
      %dma_wait3A = arith.constant 0 : i32
      %dma_wait3A_25 = arith.constant 0 : i32
      %dma_wait3A_26 = tpu.memref_slice %arg5[%dma_wait3A, %dma_wait3A_25] : memref<74x128xi32, #tpu.memory_space<vmem>> -> memref<1x128xi32, #tpu.memory_space<vmem>>
      %dma_wait3A_27 = tpu.memref_squeeze %dma_wait3A_26 : memref<1x128xi32, #tpu.memory_space<vmem>> -> memref<128xi32, #tpu.memory_space<vmem>>
      %dma_wait3A_28 = arith.constant 0 : i32
      %dma_wait3A_29 = arith.constant 0 : i32
      %dma_wait3A_30 = tpu.memref_slice %arg2[%dma_wait3A_28, %dma_wait3A_29] : memref<10000x32xbf16, #tpu.memory_space<hbm>> -> memref<10000x32xbf16, #tpu.memory_space<hbm>>
      tpu.wait_indirect_dma semaphore(%arg8 : memref<!tpu.dma_semaphore, #tpu.memory_space<semaphore_mem>>) src(%dma_wait3A_30 : memref<10000x32xbf16, #tpu.memory_space<hbm>>) dst(%arg6 : memref<128x32xbf16, #tpu.memory_space<vmem>>)
      %mul3A_31 = arith.constant 2 : i32
      %mul3A_32 = arith.muli %mul3A_31, %scan3A_14 : i32
      %mul3A_33 = arith.constant 128 : i32
      %mul3A_34 = arith.muli %mul3A_32, %mul3A_33 : i32
      %add3A_35 = arith.addi %mul3A_2, %mul3A_34 : i32
      "tpu.region"() ({
        %run_scoped3A = tpu.sem_alloc : memref<!tpu.dma_semaphore, #tpu.memory_space<semaphore_mem>>
        %dma_start3A_52 = arith.constant 0 : i32
        %dma_start3A_53 = tpu.memref_slice %arg4[%add3A_35, %dma_start3A_52] : memref<303104x32xbf16, #tpu.memory_space<hbm>> -> memref<128x32xbf16, #tpu.memory_space<hbm>>
        %dma_start3A_54 = arith.constant 0 : i32
        %dma_start3A_55 = tpu.memref_slice %arg4[%add3A_35, %dma_start3A_54] : memref<303104x32xbf16, #tpu.memory_space<hbm>> -> memref<128x32xbf16, #tpu.memory_space<hbm>>
        tpu.enqueue_dma source(%arg6 : memref<128x32xbf16, #tpu.memory_space<vmem>>) target(%dma_start3A_55 : memref<128x32xbf16, #tpu.memory_space<hbm>>) target_semaphore(%run_scoped3A : memref<!tpu.dma_semaphore, #tpu.memory_space<semaphore_mem>>)
        %dma_wait3A_56 = arith.constant 0 : i32
        %dma_wait3A_57 = tpu.memref_slice %arg4[%add3A_35, %dma_wait3A_56] : memref<303104x32xbf16, #tpu.memory_space<hbm>> -> memref<128x32xbf16, #tpu.memory_space<hbm>>
        %dma_wait3A_58 = arith.constant 0 : i32
        %dma_wait3A_59 = tpu.memref_slice %arg4[%add3A_35, %dma_wait3A_58] : memref<303104x32xbf16, #tpu.memory_space<hbm>> -> memref<128x32xbf16, #tpu.memory_space<hbm>>
        tpu.wait_dma2 semaphore(%run_scoped3A : memref<!tpu.dma_semaphore, #tpu.memory_space<semaphore_mem>>) src(%arg6 : memref<128x32xbf16, #tpu.memory_space<vmem>>) dst(%dma_wait3A_59 : memref<128x32xbf16, #tpu.memory_space<hbm>>)
        tpu.yield
      }) : () -> ()
      %lt3A = arith.constant 36 : i32
      %lt3A_36 = arith.cmpi slt, %scan3A_14, %lt3A : i32
      %convert_element_type3A = arith.extui %lt3A_36 : i1 to i32
      %cond3A = arith.constant 0 : i32
      %cond3A_37 = arith.cmpi ne, %convert_element_type3A, %cond3A : i32
      scf.if %cond3A_37 {
        %mul3A_52 = arith.constant 2 : i32
        %mul3A_53 = arith.muli %mul3A_52, %scan3A_14 : i32
        %add3A_54 = arith.constant 2 : i32
        %add3A_55 = arith.addi %mul3A_53, %add3A_54 : i32
        %dma_start3A_56 = arith.constant 0 : i32
        %dma_start3A_57 = tpu.memref_slice %arg5[%add3A_55, %dma_start3A_56] : memref<74x128xi32, #tpu.memory_space<vmem>> -> memref<1x128xi32, #tpu.memory_space<vmem>>
        %dma_start3A_58 = tpu.memref_squeeze %dma_start3A_57 : memref<1x128xi32, #tpu.memory_space<vmem>> -> memref<128xi32, #tpu.memory_space<vmem>>
        %dma_start3A_59 = arith.constant 0 : i32
        %dma_start3A_60 = arith.constant 0 : i32
        %dma_start3A_61 = tpu.memref_slice %arg2[%dma_start3A_59, %dma_start3A_60] : memref<10000x32xbf16, #tpu.memory_space<hbm>> -> memref<10000x32xbf16, #tpu.memory_space<hbm>>
        tpu.enqueue_indirect_dma source(%dma_start3A_61 : memref<10000x32xbf16, #tpu.memory_space<hbm>>) target(%arg6 : memref<128x32xbf16, #tpu.memory_space<vmem>>) offsets(%dma_start3A_58 : memref<128xi32, #tpu.memory_space<vmem>>) semaphore(%arg8 : memref<!tpu.dma_semaphore, #tpu.memory_space<semaphore_mem>>)
      } else {
      }
      %dma_wait3A_38 = arith.constant 0 : i32
      %dma_wait3A_39 = arith.constant 0 : i32
      %dma_wait3A_40 = tpu.memref_slice %arg5[%dma_wait3A_38, %dma_wait3A_39] : memref<74x128xi32, #tpu.memory_space<vmem>> -> memref<1x128xi32, #tpu.memory_space<vmem>>
      %dma_wait3A_41 = tpu.memref_squeeze %dma_wait3A_40 : memref<1x128xi32, #tpu.memory_space<vmem>> -> memref<128xi32, #tpu.memory_space<vmem>>
      %dma_wait3A_42 = arith.constant 0 : i32
      %dma_wait3A_43 = arith.constant 0 : i32
      %dma_wait3A_44 = tpu.memref_slice %arg2[%dma_wait3A_42, %dma_wait3A_43] : memref<10000x32xbf16, #tpu.memory_space<hbm>> -> memref<10000x32xbf16, #tpu.memory_space<hbm>>
      tpu.wait_indirect_dma semaphore(%arg8 : memref<!tpu.dma_semaphore, #tpu.memory_space<semaphore_mem>>) src(%dma_wait3A_44 : memref<10000x32xbf16, #tpu.memory_space<hbm>>) dst(%arg7 : memref<128x32xbf16, #tpu.memory_space<vmem>>)
      %mul3A_45 = arith.constant 2 : i32
      %mul3A_46 = arith.muli %mul3A_45, %scan3A_14 : i32
      %add3A_47 = arith.constant 1 : i32
      %add3A_48 = arith.addi %mul3A_46, %add3A_47 : i32
      %mul3A_49 = arith.constant 128 : i32
      %mul3A_50 = arith.muli %add3A_48, %mul3A_49 : i32
      %add3A_51 = arith.addi %mul3A_2, %mul3A_50 : i32
      "tpu.region"() ({
        %run_scoped3A = tpu.sem_alloc : memref<!tpu.dma_semaphore, #tpu.memory_space<semaphore_mem>>
        %dma_start3A_52 = arith.constant 0 : i32
        %dma_start3A_53 = tpu.memref_slice %arg4[%add3A_51, %dma_start3A_52] : memref<303104x32xbf16, #tpu.memory_space<hbm>> -> memref<128x32xbf16, #tpu.memory_space<hbm>>
        %dma_start3A_54 = arith.constant 0 : i32
        %dma_start3A_55 = tpu.memref_slice %arg4[%add3A_51, %dma_start3A_54] : memref<303104x32xbf16, #tpu.memory_space<hbm>> -> memref<128x32xbf16, #tpu.memory_space<hbm>>
        tpu.enqueue_dma source(%arg7 : memref<128x32xbf16, #tpu.memory_space<vmem>>) target(%dma_start3A_55 : memref<128x32xbf16, #tpu.memory_space<hbm>>) target_semaphore(%run_scoped3A : memref<!tpu.dma_semaphore, #tpu.memory_space<semaphore_mem>>)
        %dma_wait3A_56 = arith.constant 0 : i32
        %dma_wait3A_57 = tpu.memref_slice %arg4[%add3A_51, %dma_wait3A_56] : memref<303104x32xbf16, #tpu.memory_space<hbm>> -> memref<128x32xbf16, #tpu.memory_space<hbm>>
        %dma_wait3A_58 = arith.constant 0 : i32
        %dma_wait3A_59 = tpu.memref_slice %arg4[%add3A_51, %dma_wait3A_58] : memref<303104x32xbf16, #tpu.memory_space<hbm>> -> memref<128x32xbf16, #tpu.memory_space<hbm>>
        tpu.wait_dma2 semaphore(%run_scoped3A : memref<!tpu.dma_semaphore, #tpu.memory_space<semaphore_mem>>) src(%arg7 : memref<128x32xbf16, #tpu.memory_space<vmem>>) dst(%dma_wait3A_59 : memref<128x32xbf16, #tpu.memory_space<hbm>>)
        tpu.yield
      }) : () -> ()
    }
    %scan3A_13 = arith.constant 37 : i32
    return
  }
}

module attributes {stable_mosaic.version = 14 : i64} {
  func.func @_tc_body(%arg0: i32, %arg1: memref<30x1000x32xbf16, #tpu.memory_space<vmem>>, %arg2: memref<1000x3xf32, #tpu.memory_space<vmem>>, %arg3: memref<1000x20xf32, #tpu.memory_space<vmem>>, %arg4: memref<1000x1xi32, #tpu.memory_space<vmem>>, %arg5: memref<26x256xbf16, #tpu.memory_space<vmem>>, %arg6: memref<16x256xbf16, #tpu.memory_space<vmem>>, %arg7: memref<26x256xbf16, #tpu.memory_space<vmem>>, %arg8: memref<16x256xbf16, #tpu.memory_space<vmem>>, %arg9: memref<1x256xf32, #tpu.memory_space<vmem>>, %arg10: memref<256x256xbf16, #tpu.memory_space<vmem>>, %arg11: memref<1x256xf32, #tpu.memory_space<vmem>>, %arg12: memref<256x256xbf16, #tpu.memory_space<vmem>>, %arg13: memref<1x256xf32, #tpu.memory_space<vmem>>, %arg14: memref<256x129xbf16, #tpu.memory_space<vmem>>, %arg15: memref<1x129xf32, #tpu.memory_space<vmem>>, %arg16: memref<15x256x300xbf16, #tpu.memory_space<vmem>>, %arg17: memref<1x300xf32, #tpu.memory_space<vmem>>, %arg18: memref<300x128xf32, #tpu.memory_space<vmem>>, %arg19: memref<1x128xf32, #tpu.memory_space<vmem>>, %arg20: memref<128x128xf32, #tpu.memory_space<vmem>>, %arg21: memref<1x128xf32, #tpu.memory_space<vmem>>, %arg22: memref<128x20xf32, #tpu.memory_space<vmem>>, %arg23: memref<1x20xf32, #tpu.memory_space<vmem>>, %arg24: memref<32x1xf32, #tpu.memory_space<vmem>>, %arg25: memref<32x128xf32, #tpu.memory_space<vmem>>) attributes {dimension_semantics = [#tpu.dimension_semantics<arbitrary>], iteration_bounds = array<i64: 10>, scalar_prefetch = 0 : i64, scratch_operands = 1 : i64, tpu.core_type = #tpu.core_type<tc>, window_params = [{transform_indices = @transform_0, window_bounds = array<i64: 30, 1000, 32>}, {transform_indices = @transform_1, window_bounds = array<i64: 1000, 3>}, {transform_indices = @transform_2, window_bounds = array<i64: 1000, 20>}, {transform_indices = @transform_3, window_bounds = array<i64: 1000, 1>}, {pipeline_mode = #tpu.pipeline_mode<synchronous>, transform_indices = @transform_4, window_bounds = array<i64: 26, 256>}, {pipeline_mode = #tpu.pipeline_mode<synchronous>, transform_indices = @transform_5, window_bounds = array<i64: 16, 256>}, {pipeline_mode = #tpu.pipeline_mode<synchronous>, transform_indices = @transform_6, window_bounds = array<i64: 26, 256>}, {pipeline_mode = #tpu.pipeline_mode<synchronous>, transform_indices = @transform_7, window_bounds = array<i64: 16, 256>}, {pipeline_mode = #tpu.pipeline_mode<synchronous>, transform_indices = @transform_8, window_bounds = array<i64: 1, 256>}, {pipeline_mode = #tpu.pipeline_mode<synchronous>, transform_indices = @transform_9, window_bounds = array<i64: 256, 256>}, {pipeline_mode = #tpu.pipeline_mode<synchronous>, transform_indices = @transform_10, window_bounds = array<i64: 1, 256>}, {pipeline_mode = #tpu.pipeline_mode<synchronous>, transform_indices = @transform_11, window_bounds = array<i64: 256, 256>}, {pipeline_mode = #tpu.pipeline_mode<synchronous>, transform_indices = @transform_12, window_bounds = array<i64: 1, 256>}, {pipeline_mode = #tpu.pipeline_mode<synchronous>, transform_indices = @transform_13, window_bounds = array<i64: 256, 129>}, {pipeline_mode = #tpu.pipeline_mode<synchronous>, transform_indices = @transform_14, window_bounds = array<i64: 1, 129>}, {pipeline_mode = #tpu.pipeline_mode<synchronous>, transform_indices = @transform_15, window_bounds = array<i64: 15, 256, 300>}, {pipeline_mode = #tpu.pipeline_mode<synchronous>, transform_indices = @transform_16, window_bounds = array<i64: 1, 300>}, {pipeline_mode = #tpu.pipeline_mode<synchronous>, transform_indices = @transform_17, window_bounds = array<i64: 300, 128>}, {pipeline_mode = #tpu.pipeline_mode<synchronous>, transform_indices = @transform_18, window_bounds = array<i64: 1, 128>}, {pipeline_mode = #tpu.pipeline_mode<synchronous>, transform_indices = @transform_19, window_bounds = array<i64: 128, 128>}, {pipeline_mode = #tpu.pipeline_mode<synchronous>, transform_indices = @transform_20, window_bounds = array<i64: 1, 128>}, {pipeline_mode = #tpu.pipeline_mode<synchronous>, transform_indices = @transform_21, window_bounds = array<i64: 128, 20>}, {pipeline_mode = #tpu.pipeline_mode<synchronous>, transform_indices = @transform_22, window_bounds = array<i64: 1, 20>}, {pipeline_mode = #tpu.pipeline_mode<synchronous>, transform_indices = @transform_23, window_bounds = array<i64: 32, 1>}]} {
    %eq3A = arith.constant 0 : i32
    %eq3A_0 = arith.cmpi eq, %arg0, %eq3A : i32
    %convert_element_type3A = arith.extui %eq3A_0 : i1 to i32
    %cond3A = arith.constant 0 : i32
    %cond3A_1 = arith.cmpi ne, %convert_element_type3A, %cond3A : i32
    scf.if %cond3A_1 {
      %broadcast_in_dim3A_145 = arith.constant 0.000000e+00 : f32
      %broadcast_in_dim3A_146 = vector.broadcast %broadcast_in_dim3A_145 : f32 to vector<32x128xf32>
      %swap3A_147 = arith.constant 0 : index
      %swap3A_148 = arith.constant 0 : index
      %swap3A_149 = vector.load %arg25[%swap3A_147, %swap3A_148] : memref<32x128xf32, #tpu.memory_space<vmem>>, vector<32x128xf32>
      tpu.vector_store %arg25[%swap3A_147, %swap3A_148], %broadcast_in_dim3A_146 {strides = array<i32>} : memref<32x128xf32, #tpu.memory_space<vmem>>, vector<32x128xf32>,
    } else {
    }
    %iota3A = tpu.iota {dimensions = array<i32: 1>} : vector<1x16xi32>
    %convert_element_type3A_2 = arith.sitofp %iota3A : vector<1x16xi32> to vector<1x16xf32>
    %mul3A = arith.constant 1.33333337 : f32
    %mul3A_3 = vector.broadcast %mul3A : f32 to vector<1x16xf32>
    %mul3A_4 = arith.mulf %convert_element_type3A_2, %mul3A_3 : vector<1x16xf32>
    %get3A = arith.constant 0 : index
    %get3A_5 = arith.constant 0 : index
    %get3A_6 = vector.load %arg2[%get3A, %get3A_5] : memref<1000x3xf32, #tpu.memory_space<vmem>>, vector<1000x1xf32>
    %get3A_7 = arith.constant 0 : index
    %get3A_8 = arith.constant 1 : index
    %get3A_9 = vector.load %arg2[%get3A_7, %get3A_8] : memref<1000x3xf32, #tpu.memory_space<vmem>>, vector<1000x1xf32>
    %get3A_10 = arith.constant 0 : index
    %get3A_11 = arith.constant 2 : index
    %get3A_12 = vector.load %arg2[%get3A_10, %get3A_11] : memref<1000x3xf32, #tpu.memory_space<vmem>>, vector<1000x1xf32>
    %get3A_13 = arith.constant 0 : index
    %get3A_14 = arith.constant 0 : index
    %get3A_15 = arith.constant 0 : index
    %get3A_16 = vector.load %arg1[%get3A_13, %get3A_14, %get3A_15] : memref<30x1000x32xbf16, #tpu.memory_space<vmem>>, vector<1x1000x32xbf16>
    %get3A_17 = vector.shape_cast %get3A_16 : vector<1x1000x32xbf16> to vector<1000x32xbf16>
    %slice3A = vector.extract_strided_slice %get3A_17 {offsets = [0, 0], sizes = [1000, 26], strides = [1, 1]} : vector<1000x32xbf16> to vector<1000x26xbf16>
    %slice3A_18 = vector.extract_strided_slice %get3A_17 {offsets = [0, 26], sizes = [1000, 1], strides = [1, 1]} : vector<1000x32xbf16> to vector<1000x1xbf16>
    %convert_element_type3A_19 = arith.extf %slice3A_18 : vector<1000x1xbf16> to vector<1000x1xf32>
    %sub3A = arith.subf %get3A_6, %convert_element_type3A_19 : vector<1000x1xf32>
    %integer_pow3A = arith.mulf %sub3A, %sub3A : vector<1000x1xf32>
    %slice3A_20 = vector.extract_strided_slice %get3A_17 {offsets = [0, 27], sizes = [1000, 1], strides = [1, 1]} : vector<1000x32xbf16> to vector<1000x1xbf16>
    %convert_element_type3A_21 = arith.extf %slice3A_20 : vector<1000x1xbf16> to vector<1000x1xf32>
    %sub3A_22 = arith.subf %get3A_9, %convert_element_type3A_21 : vector<1000x1xf32>
    %integer_pow3A_23 = arith.mulf %sub3A_22, %sub3A_22 : vector<1000x1xf32>
    %add3A = arith.addf %integer_pow3A, %integer_pow3A_23 : vector<1000x1xf32>
    %slice3A_24 = vector.extract_strided_slice %get3A_17 {offsets = [0, 28], sizes = [1000, 1], strides = [1, 1]} : vector<1000x32xbf16> to vector<1000x1xbf16>
    %convert_element_type3A_25 = arith.extf %slice3A_24 : vector<1000x1xbf16> to vector<1000x1xf32>
    %sub3A_26 = arith.subf %get3A_12, %convert_element_type3A_25 : vector<1000x1xf32>
    %integer_pow3A_27 = arith.mulf %sub3A_26, %sub3A_26 : vector<1000x1xf32>
    %add3A_28 = arith.addf %add3A, %integer_pow3A_27 : vector<1000x1xf32>
    %add3A_29 = arith.constant 9.99999996E-13 : f32
    %add3A_30 = vector.broadcast %add3A_29 : f32 to vector<1000x1xf32>
    %add3A_31 = arith.addf %add3A_28, %add3A_30 : vector<1000x1xf32>
    %sqrt3A = math.sqrt %add3A_31 : vector<1000x1xf32>
    %sub3A_32 = vector.broadcast %sqrt3A : vector<1000x1xf32> to vector<1000x16xf32>
    %sub3A_33 = vector.broadcast %mul3A_4 : vector<1x16xf32> to vector<1000x16xf32>
    %sub3A_34 = arith.subf %sub3A_32, %sub3A_33 : vector<1000x16xf32>
    %integer_pow3A_35 = arith.mulf %sub3A_34, %sub3A_34 : vector<1000x16xf32>
    %mul3A_36 = arith.constant -2.812500e-01 : f32
    %mul3A_37 = vector.broadcast %mul3A_36 : f32 to vector<1000x16xf32>
    %mul3A_38 = arith.mulf %integer_pow3A_35, %mul3A_37 : vector<1000x16xf32>
    %exp3A = math.exp %mul3A_38 : vector<1000x16xf32>
    %convert_element_type3A_39 = arith.truncf %exp3A : vector<1000x16xf32> to vector<1000x16xbf16>
    %get3A_40 = arith.constant 0 : index
    %get3A_41 = arith.constant 0 : index
    %get3A_42 = vector.load %arg7[%get3A_40, %get3A_41] : memref<26x256xbf16, #tpu.memory_space<vmem>>, vector<26x256xbf16>
    %dot_general3A = arith.constant dense<0.000000e+00> : vector<1000x256xf32>
    %dot_general3A_43 = tpu.matmul %slice3A, %get3A_42, %dot_general3A {dimension_numbers = #tpu.dot_dimension_numbers<[1], [0], [0], [1], [0, 0, 1, 1], [], []>, transpose_lhs_hint = false} : vector<1000x26xbf16>, vector<26x256xbf16>, vector<1000x256xf32> -> vector<1000x256xf32>
    %get3A_44 = arith.constant 0 : index
    %get3A_45 = arith.constant 0 : index
    %get3A_46 = vector.load %arg8[%get3A_44, %get3A_45] : memref<16x256xbf16, #tpu.memory_space<vmem>>, vector<16x256xbf16>
    %dot_general3A_47 = arith.constant dense<0.000000e+00> : vector<1000x256xf32>
    %dot_general3A_48 = tpu.matmul %convert_element_type3A_39, %get3A_46, %dot_general3A_47 {dimension_numbers = #tpu.dot_dimension_numbers<[1], [0], [0], [1], [0, 0, 1, 1], [], []>, transpose_lhs_hint = false} : vector<1000x16xbf16>, vector<16x256xbf16>, vector<1000x256xf32> -> vector<1000x256xf32>
    %add3A_49 = arith.addf %dot_general3A_43, %dot_general3A_48 : vector<1000x256xf32>
    %get3A_50 = arith.constant 0 : index
    %get3A_51 = arith.constant 0 : index
    %get3A_52 = vector.load %arg9[%get3A_50, %get3A_51] : memref<1x256xf32, #tpu.memory_space<vmem>>, vector<1x256xf32>
    %add3A_53 = vector.broadcast %get3A_52 : vector<1x256xf32> to vector<1000x256xf32>
    %add3A_54 = arith.addf %add3A_49, %add3A_53 : vector<1000x256xf32>
    %broadcast_in_dim3A = arith.constant 0.000000e+00 : f32
    %broadcast_in_dim3A_55 = vector.broadcast %broadcast_in_dim3A : f32 to vector<1000x300xf32>
    %scan3A = arith.constant 0 : i32
    %scan3A_56 = arith.constant 15 : i32
    %scan3A_57 = arith.addi %scan3A, %scan3A_56 : i32
    %scan3A_58 = arith.constant 5 : i32
    %scan3A_59 = scf.for %scan3A_145 = %scan3A to %scan3A_57 step %scan3A_58 iter_args(%scan3A_146 = %broadcast_in_dim3A_55) -> (vector<1000x300xf32>)  : i32 {
      %mul3A_147 = arith.constant 2 : i32
      %mul3A_148 = arith.muli %mul3A_147, %scan3A_145 : i32
      %get3A_149 = arith.index_cast %mul3A_148 : i32 to index
      %get3A_150 = arith.constant 0 : index
      %get3A_151 = arith.constant 0 : index
      %get3A_152 = vector.load %arg1[%get3A_149, %get3A_150, %get3A_151] : memref<30x1000x32xbf16, #tpu.memory_space<vmem>>, vector<1x1000x32xbf16>
      %get3A_153 = vector.shape_cast %get3A_152 : vector<1x1000x32xbf16> to vector<1000x32xbf16>
      %slice3A_154 = vector.extract_strided_slice %get3A_153 {offsets = [0, 0], sizes = [1000, 26], strides = [1, 1]} : vector<1000x32xbf16> to vector<1000x26xbf16>
      %slice3A_155 = vector.extract_strided_slice %get3A_153 {offsets = [0, 26], sizes = [1000, 1], strides = [1, 1]} : vector<1000x32xbf16> to vector<1000x1xbf16>
      %convert_element_type3A_156 = arith.extf %slice3A_155 : vector<1000x1xbf16> to vector<1000x1xf32>
      %sub3A_157 = arith.subf %get3A_6, %convert_element_type3A_156 : vector<1000x1xf32>
      %integer_pow3A_158 = arith.mulf %sub3A_157, %sub3A_157 : vector<1000x1xf32>
      %slice3A_159 = vector.extract_strided_slice %get3A_153 {offsets = [0, 27], sizes = [1000, 1], strides = [1, 1]} : vector<1000x32xbf16> to vector<1000x1xbf16>
      %convert_element_type3A_160 = arith.extf %slice3A_159 : vector<1000x1xbf16> to vector<1000x1xf32>
      %sub3A_161 = arith.subf %get3A_9, %convert_element_type3A_160 : vector<1000x1xf32>
      %integer_pow3A_162 = arith.mulf %sub3A_161, %sub3A_161 : vector<1000x1xf32>
      %add3A_163 = arith.addf %integer_pow3A_158, %integer_pow3A_162 : vector<1000x1xf32>
      %slice3A_164 = vector.extract_strided_slice %get3A_153 {offsets = [0, 28], sizes = [1000, 1], strides = [1, 1]} : vector<1000x32xbf16> to vector<1000x1xbf16>
      %convert_element_type3A_165 = arith.extf %slice3A_164 : vector<1000x1xbf16> to vector<1000x1xf32>
      %sub3A_166 = arith.subf %get3A_12, %convert_element_type3A_165 : vector<1000x1xf32>
      %integer_pow3A_167 = arith.mulf %sub3A_166, %sub3A_166 : vector<1000x1xf32>
      %add3A_168 = arith.addf %add3A_163, %integer_pow3A_167 : vector<1000x1xf32>
      %add3A_169 = arith.constant 9.99999996E-13 : f32
      %add3A_170 = vector.broadcast %add3A_169 : f32 to vector<1000x1xf32>
      %add3A_171 = arith.addf %add3A_168, %add3A_170 : vector<1000x1xf32>
      %sqrt3A_172 = math.sqrt %add3A_171 : vector<1000x1xf32>
      %sub3A_173 = vector.broadcast %sqrt3A_172 : vector<1000x1xf32> to vector<1000x16xf32>
      %sub3A_174 = vector.broadcast %mul3A_4 : vector<1x16xf32> to vector<1000x16xf32>
      %sub3A_175 = arith.subf %sub3A_173, %sub3A_174 : vector<1000x16xf32>
      %integer_pow3A_176 = arith.mulf %sub3A_175, %sub3A_175 : vector<1000x16xf32>
      %mul3A_177 = arith.constant -2.812500e-01 : f32
      %mul3A_178 = vector.broadcast %mul3A_177 : f32 to vector<1000x16xf32>
      %mul3A_179 = arith.mulf %integer_pow3A_176, %mul3A_178 : vector<1000x16xf32>
      %exp3A_180 = math.exp %mul3A_179 : vector<1000x16xf32>
      %convert_element_type3A_181 = arith.truncf %exp3A_180 : vector<1000x16xf32> to vector<1000x16xbf16>
      %get3A_182 = arith.constant 0 : index
      %get3A_183 = arith.constant 0 : index
      %get3A_184 = vector.load %arg5[%get3A_182, %get3A_183] : memref<26x256xbf16, #tpu.memory_space<vmem>>, vector<26x256xbf16>
      %dot_general3A_185 = arith.constant dense<0.000000e+00> : vector<1000x256xf32>
      %dot_general3A_186 = tpu.matmul %slice3A_154, %get3A_184, %dot_general3A_185 {dimension_numbers = #tpu.dot_dimension_numbers<[1], [0], [0], [1], [0, 0, 1, 1], [], []>, transpose_lhs_hint = false} : vector<1000x26xbf16>, vector<26x256xbf16>, vector<1000x256xf32> -> vector<1000x256xf32>
      %get3A_187 = arith.constant 0 : index
      %get3A_188 = arith.constant 0 : index
      %get3A_189 = vector.load %arg6[%get3A_187, %get3A_188] : memref<16x256xbf16, #tpu.memory_space<vmem>>, vector<16x256xbf16>
      %dot_general3A_190 = arith.constant dense<0.000000e+00> : vector<1000x256xf32>
      %dot_general3A_191 = tpu.matmul %convert_element_type3A_181, %get3A_189, %dot_general3A_190 {dimension_numbers = #tpu.dot_dimension_numbers<[1], [0], [0], [1], [0, 0, 1, 1], [], []>, transpose_lhs_hint = false} : vector<1000x16xbf16>, vector<16x256xbf16>, vector<1000x256xf32> -> vector<1000x256xf32>
      %add3A_192 = arith.addf %dot_general3A_186, %dot_general3A_191 : vector<1000x256xf32>
      %add3A_193 = arith.addf %add3A_192, %add3A_54 : vector<1000x256xf32>
      %max3A_194 = arith.constant 0.000000e+00 : f32
      %max3A_195 = vector.broadcast %max3A_194 : f32 to vector<1000x256xf32>
      %max3A_196 = arith.maximumf %add3A_193, %max3A_195 : vector<1000x256xf32>
      %convert_element_type3A_197 = arith.truncf %max3A_196 : vector<1000x256xf32> to vector<1000x256xbf16>
      %get3A_198 = arith.constant 0 : index
      %get3A_199 = arith.constant 0 : index
      %get3A_200 = vector.load %arg10[%get3A_198, %get3A_199] : memref<256x256xbf16, #tpu.memory_space<vmem>>, vector<256x256xbf16>
      %dot_general3A_201 = arith.constant dense<0.000000e+00> : vector<1000x256xf32>
      %dot_general3A_202 = tpu.matmul %convert_element_type3A_197, %get3A_200, %dot_general3A_201 {dimension_numbers = #tpu.dot_dimension_numbers<[1], [0], [0], [1], [0, 0, 1, 1], [], []>, transpose_lhs_hint = false} : vector<1000x256xbf16>, vector<256x256xbf16>, vector<1000x256xf32> -> vector<1000x256xf32>
      %get3A_203 = arith.constant 0 : index
      %get3A_204 = arith.constant 0 : index
      %get3A_205 = vector.load %arg11[%get3A_203, %get3A_204] : memref<1x256xf32, #tpu.memory_space<vmem>>, vector<1x256xf32>
      %add3A_206 = vector.broadcast %get3A_205 : vector<1x256xf32> to vector<1000x256xf32>
      %add3A_207 = arith.addf %dot_general3A_202, %add3A_206 : vector<1000x256xf32>
      %max3A_208 = arith.constant 0.000000e+00 : f32
      %max3A_209 = vector.broadcast %max3A_208 : f32 to vector<1000x256xf32>
      %max3A_210 = arith.maximumf %add3A_207, %max3A_209 : vector<1000x256xf32>
      %convert_element_type3A_211 = arith.truncf %max3A_210 : vector<1000x256xf32> to vector<1000x256xbf16>
      %get3A_212 = arith.constant 0 : index
      %get3A_213 = arith.constant 0 : index
      %get3A_214 = vector.load %arg12[%get3A_212, %get3A_213] : memref<256x256xbf16, #tpu.memory_space<vmem>>, vector<256x256xbf16>
      %dot_general3A_215 = arith.constant dense<0.000000e+00> : vector<1000x256xf32>
      %dot_general3A_216 = tpu.matmul %convert_element_type3A_211, %get3A_214, %dot_general3A_215 {dimension_numbers = #tpu.dot_dimension_numbers<[1], [0], [0], [1], [0, 0, 1, 1], [], []>, transpose_lhs_hint = false} : vector<1000x256xbf16>, vector<256x256xbf16>, vector<1000x256xf32> -> vector<1000x256xf32>
      %get3A_217 = arith.constant 0 : index
      %get3A_218 = arith.constant 0 : index
      %get3A_219 = vector.load %arg13[%get3A_217, %get3A_218] : memref<1x256xf32, #tpu.memory_space<vmem>>, vector<1x256xf32>
      %add3A_220 = vector.broadcast %get3A_219 : vector<1x256xf32> to vector<1000x256xf32>
      %add3A_221 = arith.addf %dot_general3A_216, %add3A_220 : vector<1000x256xf32>
      %max3A_222 = arith.constant 0.000000e+00 : f32
      %max3A_223 = vector.broadcast %max3A_222 : f32 to vector<1000x256xf32>
      %max3A_224 = arith.maximumf %add3A_221, %max3A_223 : vector<1000x256xf32>
      %convert_element_type3A_225 = arith.truncf %max3A_224 : vector<1000x256xf32> to vector<1000x256xbf16>
      %get3A_226 = arith.constant 0 : index
      %get3A_227 = arith.constant 0 : index
      %get3A_228 = vector.load %arg14[%get3A_226, %get3A_227] : memref<256x129xbf16, #tpu.memory_space<vmem>>, vector<256x129xbf16>
      %dot_general3A_229 = arith.constant dense<0.000000e+00> : vector<1000x129xf32>
      %dot_general3A_230 = tpu.matmul %convert_element_type3A_225, %get3A_228, %dot_general3A_229 {dimension_numbers = #tpu.dot_dimension_numbers<[1], [0], [0], [1], [0, 0, 1, 1], [], []>, transpose_lhs_hint = false} : vector<1000x256xbf16>, vector<256x129xbf16>, vector<1000x129xf32> -> vector<1000x129xf32>
      %get3A_231 = arith.constant 0 : index
      %get3A_232 = arith.constant 0 : index
      %get3A_233 = vector.load %arg15[%get3A_231, %get3A_232] : memref<1x129xf32, #tpu.memory_space<vmem>>, vector<1x129xf32>
      %add3A_234 = vector.broadcast %get3A_233 : vector<1x129xf32> to vector<1000x129xf32>
      %add3A_235 = arith.addf %dot_general3A_230, %add3A_234 : vector<1000x129xf32>
      %slice3A_236 = vector.extract_strided_slice %add3A_235 {offsets = [0, 0], sizes = [1000, 128], strides = [1, 1]} : vector<1000x129xf32> to vector<1000x128xf32>
      %slice3A_237 = vector.extract_strided_slice %add3A_235 {offsets = [0, 128], sizes = [1000, 1], strides = [1, 1]} : vector<1000x129xf32> to vector<1000x1xf32>
      %mul3A_238 = vector.broadcast %slice3A_237 : vector<1000x1xf32> to vector<1000x128xf32>
      %mul3A_239 = arith.mulf %slice3A_236, %mul3A_238 : vector<1000x128xf32>
      %convert_element_type3A_240 = arith.truncf %mul3A_239 : vector<1000x128xf32> to vector<1000x128xbf16>
      %mul3A_241 = arith.constant 2 : i32
      %mul3A_242 = arith.muli %mul3A_241, %scan3A_145 : i32
      %add3A_243 = arith.constant 1 : i32
      %add3A_244 = arith.addi %mul3A_242, %add3A_243 : i32
      %get3A_245 = arith.index_cast %add3A_244 : i32 to index
      %get3A_246 = arith.constant 0 : index
      %get3A_247 = arith.constant 0 : index
      %get3A_248 = vector.load %arg1[%get3A_245, %get3A_246, %get3A_247] : memref<30x1000x32xbf16, #tpu.memory_space<vmem>>, vector<1x1000x32xbf16>
      %get3A_249 = vector.shape_cast %get3A_248 : vector<1x1000x32xbf16> to vector<1000x32xbf16>
      %slice3A_250 = vector.extract_strided_slice %get3A_249 {offsets = [0, 0], sizes = [1000, 26], strides = [1, 1]} : vector<1000x32xbf16> to vector<1000x26xbf16>
      %slice3A_251 = vector.extract_strided_slice %get3A_249 {offsets = [0, 26], sizes = [1000, 1], strides = [1, 1]} : vector<1000x32xbf16> to vector<1000x1xbf16>
      %convert_element_type3A_252 = arith.extf %slice3A_251 : vector<1000x1xbf16> to vector<1000x1xf32>
      %sub3A_253 = arith.subf %get3A_6, %convert_element_type3A_252 : vector<1000x1xf32>
      %integer_pow3A_254 = arith.mulf %sub3A_253, %sub3A_253 : vector<1000x1xf32>
      %slice3A_255 = vector.extract_strided_slice %get3A_249 {offsets = [0, 27], sizes = [1000, 1], strides = [1, 1]} : vector<1000x32xbf16> to vector<1000x1xbf16>
      %convert_element_type3A_256 = arith.extf %slice3A_255 : vector<1000x1xbf16> to vector<1000x1xf32>
      %sub3A_257 = arith.subf %get3A_9, %convert_element_type3A_256 : vector<1000x1xf32>
      %integer_pow3A_258 = arith.mulf %sub3A_257, %sub3A_257 : vector<1000x1xf32>
      %add3A_259 = arith.addf %integer_pow3A_254, %integer_pow3A_258 : vector<1000x1xf32>
      %slice3A_260 = vector.extract_strided_slice %get3A_249 {offsets = [0, 28], sizes = [1000, 1], strides = [1, 1]} : vector<1000x32xbf16> to vector<1000x1xbf16>
      %convert_element_type3A_261 = arith.extf %slice3A_260 : vector<1000x1xbf16> to vector<1000x1xf32>
      %sub3A_262 = arith.subf %get3A_12, %convert_element_type3A_261 : vector<1000x1xf32>
      %integer_pow3A_263 = arith.mulf %sub3A_262, %sub3A_262 : vector<1000x1xf32>
      %add3A_264 = arith.addf %add3A_259, %integer_pow3A_263 : vector<1000x1xf32>
      %add3A_265 = arith.constant 9.99999996E-13 : f32
      %add3A_266 = vector.broadcast %add3A_265 : f32 to vector<1000x1xf32>
      %add3A_267 = arith.addf %add3A_264, %add3A_266 : vector<1000x1xf32>
      %sqrt3A_268 = math.sqrt %add3A_267 : vector<1000x1xf32>
      %sub3A_269 = vector.broadcast %sqrt3A_268 : vector<1000x1xf32> to vector<1000x16xf32>
      %sub3A_270 = vector.broadcast %mul3A_4 : vector<1x16xf32> to vector<1000x16xf32>
      %sub3A_271 = arith.subf %sub3A_269, %sub3A_270 : vector<1000x16xf32>
      %integer_pow3A_272 = arith.mulf %sub3A_271, %sub3A_271 : vector<1000x16xf32>
      %mul3A_273 = arith.constant -2.812500e-01 : f32
      %mul3A_274 = vector.broadcast %mul3A_273 : f32 to vector<1000x16xf32>
      %mul3A_275 = arith.mulf %integer_pow3A_272, %mul3A_274 : vector<1000x16xf32>
      %exp3A_276 = math.exp %mul3A_275 : vector<1000x16xf32>
      %convert_element_type3A_277 = arith.truncf %exp3A_276 : vector<1000x16xf32> to vector<1000x16xbf16>
      %get3A_278 = arith.constant 0 : index
      %get3A_279 = arith.constant 0 : index
      %get3A_280 = vector.load %arg5[%get3A_278, %get3A_279] : memref<26x256xbf16, #tpu.memory_space<vmem>>, vector<26x256xbf16>
      %dot_general3A_281 = arith.constant dense<0.000000e+00> : vector<1000x256xf32>
      %dot_general3A_282 = tpu.matmul %slice3A_250, %get3A_280, %dot_general3A_281 {dimension_numbers = #tpu.dot_dimension_numbers<[1], [0], [0], [1], [0, 0, 1, 1], [], []>, transpose_lhs_hint = false} : vector<1000x26xbf16>, vector<26x256xbf16>, vector<1000x256xf32> -> vector<1000x256xf32>
      %get3A_283 = arith.constant 0 : index
      %get3A_284 = arith.constant 0 : index
      %get3A_285 = vector.load %arg6[%get3A_283, %get3A_284] : memref<16x256xbf16, #tpu.memory_space<vmem>>, vector<16x256xbf16>
      %dot_general3A_286 = arith.constant dense<0.000000e+00> : vector<1000x256xf32>
      %dot_general3A_287 = tpu.matmul %convert_element_type3A_277, %get3A_285, %dot_general3A_286 {dimension_numbers = #tpu.dot_dimension_numbers<[1], [0], [0], [1], [0, 0, 1, 1], [], []>, transpose_lhs_hint = false} : vector<1000x16xbf16>, vector<16x256xbf16>, vector<1000x256xf32> -> vector<1000x256xf32>
      %add3A_288 = arith.addf %dot_general3A_282, %dot_general3A_287 : vector<1000x256xf32>
      %add3A_289 = arith.addf %add3A_288, %add3A_54 : vector<1000x256xf32>
      %max3A_290 = arith.constant 0.000000e+00 : f32
      %max3A_291 = vector.broadcast %max3A_290 : f32 to vector<1000x256xf32>
      %max3A_292 = arith.maximumf %add3A_289, %max3A_291 : vector<1000x256xf32>
      %convert_element_type3A_293 = arith.truncf %max3A_292 : vector<1000x256xf32> to vector<1000x256xbf16>
      %get3A_294 = arith.constant 0 : index
      %get3A_295 = arith.constant 0 : index
      %get3A_296 = vector.load %arg10[%get3A_294, %get3A_295] : memref<256x256xbf16, #tpu.memory_space<vmem>>, vector<256x256xbf16>
      %dot_general3A_297 = arith.constant dense<0.000000e+00> : vector<1000x256xf32>
      %dot_general3A_298 = tpu.matmul %convert_element_type3A_293, %get3A_296, %dot_general3A_297 {dimension_numbers = #tpu.dot_dimension_numbers<[1], [0], [0], [1], [0, 0, 1, 1], [], []>, transpose_lhs_hint = false} : vector<1000x256xbf16>, vector<256x256xbf16>, vector<1000x256xf32> -> vector<1000x256xf32>
      %get3A_299 = arith.constant 0 : index
      %get3A_300 = arith.constant 0 : index
      %get3A_301 = vector.load %arg11[%get3A_299, %get3A_300] : memref<1x256xf32, #tpu.memory_space<vmem>>, vector<1x256xf32>
      %add3A_302 = vector.broadcast %get3A_301 : vector<1x256xf32> to vector<1000x256xf32>
      %add3A_303 = arith.addf %dot_general3A_298, %add3A_302 : vector<1000x256xf32>
      %max3A_304 = arith.constant 0.000000e+00 : f32
      %max3A_305 = vector.broadcast %max3A_304 : f32 to vector<1000x256xf32>
      %max3A_306 = arith.maximumf %add3A_303, %max3A_305 : vector<1000x256xf32>
      %convert_element_type3A_307 = arith.truncf %max3A_306 : vector<1000x256xf32> to vector<1000x256xbf16>
      %get3A_308 = arith.constant 0 : index
      %get3A_309 = arith.constant 0 : index
      %get3A_310 = vector.load %arg12[%get3A_308, %get3A_309] : memref<256x256xbf16, #tpu.memory_space<vmem>>, vector<256x256xbf16>
      %dot_general3A_311 = arith.constant dense<0.000000e+00> : vector<1000x256xf32>
      %dot_general3A_312 = tpu.matmul %convert_element_type3A_307, %get3A_310, %dot_general3A_311 {dimension_numbers = #tpu.dot_dimension_numbers<[1], [0], [0], [1], [0, 0, 1, 1], [], []>, transpose_lhs_hint = false} : vector<1000x256xbf16>, vector<256x256xbf16>, vector<1000x256xf32> -> vector<1000x256xf32>
      %get3A_313 = arith.constant 0 : index
      %get3A_314 = arith.constant 0 : index
      %get3A_315 = vector.load %arg13[%get3A_313, %get3A_314] : memref<1x256xf32, #tpu.memory_space<vmem>>, vector<1x256xf32>
      %add3A_316 = vector.broadcast %get3A_315 : vector<1x256xf32> to vector<1000x256xf32>
      %add3A_317 = arith.addf %dot_general3A_312, %add3A_316 : vector<1000x256xf32>
      %max3A_318 = arith.constant 0.000000e+00 : f32
      %max3A_319 = vector.broadcast %max3A_318 : f32 to vector<1000x256xf32>
      %max3A_320 = arith.maximumf %add3A_317, %max3A_319 : vector<1000x256xf32>
      %convert_element_type3A_321 = arith.truncf %max3A_320 : vector<1000x256xf32> to vector<1000x256xbf16>
      %get3A_322 = arith.constant 0 : index
      %get3A_323 = arith.constant 0 : index
      %get3A_324 = vector.load %arg14[%get3A_322, %get3A_323] : memref<256x129xbf16, #tpu.memory_space<vmem>>, vector<256x129xbf16>
      %dot_general3A_325 = arith.constant dense<0.000000e+00> : vector<1000x129xf32>
      %dot_general3A_326 = tpu.matmul %convert_element_type3A_321, %get3A_324, %dot_general3A_325 {dimension_numbers = #tpu.dot_dimension_numbers<[1], [0], [0], [1], [0, 0, 1, 1], [], []>, transpose_lhs_hint = false} : vector<1000x256xbf16>, vector<256x129xbf16>, vector<1000x129xf32> -> vector<1000x129xf32>
      %get3A_327 = arith.constant 0 : index
      %get3A_328 = arith.constant 0 : index
      %get3A_329 = vector.load %arg15[%get3A_327, %get3A_328] : memref<1x129xf32, #tpu.memory_space<vmem>>, vector<1x129xf32>
      %add3A_330 = vector.broadcast %get3A_329 : vector<1x129xf32> to vector<1000x129xf32>
      %add3A_331 = arith.addf %dot_general3A_326, %add3A_330 : vector<1000x129xf32>
      %slice3A_332 = vector.extract_strided_slice %add3A_331 {offsets = [0, 0], sizes = [1000, 128], strides = [1, 1]} : vector<1000x129xf32> to vector<1000x128xf32>
      %slice3A_333 = vector.extract_strided_slice %add3A_331 {offsets = [0, 128], sizes = [1000, 1], strides = [1, 1]} : vector<1000x129xf32> to vector<1000x1xf32>
      %mul3A_334 = vector.broadcast %slice3A_333 : vector<1000x1xf32> to vector<1000x128xf32>
      %mul3A_335 = arith.mulf %slice3A_332, %mul3A_334 : vector<1000x128xf32>
      %convert_element_type3A_336 = arith.truncf %mul3A_335 : vector<1000x128xf32> to vector<1000x128xbf16>
      %concatenate3A_337 = tpu.concatenate %convert_element_type3A_240, %convert_element_type3A_336 in 1 : vector<1000x128xbf16>, vector<1000x128xbf16> -> vector<1000x256xbf16>
      %get3A_338 = arith.index_cast %scan3A_145 : i32 to index
      %get3A_339 = arith.constant 0 : index
      %get3A_340 = arith.constant 0 : index
      %get3A_341 = vector.load %arg16[%get3A_338, %get3A_339, %get3A_340] : memref<15x256x300xbf16, #tpu.memory_space<vmem>>, vector<1x256x300xbf16>
      %get3A_342 = vector.shape_cast %get3A_341 : vector<1x256x300xbf16> to vector<256x300xbf16>
      %dot_general3A_343 = arith.constant dense<0.000000e+00> : vector<1000x300xf32>
      %dot_general3A_344 = tpu.matmul %concatenate3A_337, %get3A_342, %dot_general3A_343 {dimension_numbers = #tpu.dot_dimension_numbers<[1], [0], [0], [1], [0, 0, 1, 1], [], []>, transpose_lhs_hint = false} : vector<1000x256xbf16>, vector<256x300xbf16>, vector<1000x300xf32> -> vector<1000x300xf32>
      %add3A_345 = arith.addf %scan3A_146, %dot_general3A_344 : vector<1000x300xf32>
      %scan3A_346 = arith.constant 1 : i32
      %scan3A_347 = arith.addi %scan3A_145, %scan3A_346 : i32
      %mul3A_348 = arith.constant 2 : i32
      %mul3A_349 = arith.muli %mul3A_348, %scan3A_347 : i32
      %get3A_350 = arith.index_cast %mul3A_349 : i32 to index
      %get3A_351 = arith.constant 0 : index
      %get3A_352 = arith.constant 0 : index
      %get3A_353 = vector.load %arg1[%get3A_350, %get3A_351, %get3A_352] : memref<30x1000x32xbf16, #tpu.memory_space<vmem>>, vector<1x1000x32xbf16>
      %get3A_354 = vector.shape_cast %get3A_353 : vector<1x1000x32xbf16> to vector<1000x32xbf16>
      %slice3A_355 = vector.extract_strided_slice %get3A_354 {offsets = [0, 0], sizes = [1000, 26], strides = [1, 1]} : vector<1000x32xbf16> to vector<1000x26xbf16>
      %slice3A_356 = vector.extract_strided_slice %get3A_354 {offsets = [0, 26], sizes = [1000, 1], strides = [1, 1]} : vector<1000x32xbf16> to vector<1000x1xbf16>
      %convert_element_type3A_357 = arith.extf %slice3A_356 : vector<1000x1xbf16> to vector<1000x1xf32>
      %sub3A_358 = arith.subf %get3A_6, %convert_element_type3A_357 : vector<1000x1xf32>
      %integer_pow3A_359 = arith.mulf %sub3A_358, %sub3A_358 : vector<1000x1xf32>
      %slice3A_360 = vector.extract_strided_slice %get3A_354 {offsets = [0, 27], sizes = [1000, 1], strides = [1, 1]} : vector<1000x32xbf16> to vector<1000x1xbf16>
      %convert_element_type3A_361 = arith.extf %slice3A_360 : vector<1000x1xbf16> to vector<1000x1xf32>
      %sub3A_362 = arith.subf %get3A_9, %convert_element_type3A_361 : vector<1000x1xf32>
      %integer_pow3A_363 = arith.mulf %sub3A_362, %sub3A_362 : vector<1000x1xf32>
      %add3A_364 = arith.addf %integer_pow3A_359, %integer_pow3A_363 : vector<1000x1xf32>
      %slice3A_365 = vector.extract_strided_slice %get3A_354 {offsets = [0, 28], sizes = [1000, 1], strides = [1, 1]} : vector<1000x32xbf16> to vector<1000x1xbf16>
      %convert_element_type3A_366 = arith.extf %slice3A_365 : vector<1000x1xbf16> to vector<1000x1xf32>
      %sub3A_367 = arith.subf %get3A_12, %convert_element_type3A_366 : vector<1000x1xf32>
      %integer_pow3A_368 = arith.mulf %sub3A_367, %sub3A_367 : vector<1000x1xf32>
      %add3A_369 = arith.addf %add3A_364, %integer_pow3A_368 : vector<1000x1xf32>
      %add3A_370 = arith.constant 9.99999996E-13 : f32
      %add3A_371 = vector.broadcast %add3A_370 : f32 to vector<1000x1xf32>
      %add3A_372 = arith.addf %add3A_369, %add3A_371 : vector<1000x1xf32>
      %sqrt3A_373 = math.sqrt %add3A_372 : vector<1000x1xf32>
      %sub3A_374 = vector.broadcast %sqrt3A_373 : vector<1000x1xf32> to vector<1000x16xf32>
      %sub3A_375 = vector.broadcast %mul3A_4 : vector<1x16xf32> to vector<1000x16xf32>
      %sub3A_376 = arith.subf %sub3A_374, %sub3A_375 : vector<1000x16xf32>
      %integer_pow3A_377 = arith.mulf %sub3A_376, %sub3A_376 : vector<1000x16xf32>
      %mul3A_378 = arith.constant -2.812500e-01 : f32
      %mul3A_379 = vector.broadcast %mul3A_378 : f32 to vector<1000x16xf32>
      %mul3A_380 = arith.mulf %integer_pow3A_377, %mul3A_379 : vector<1000x16xf32>
      %exp3A_381 = math.exp %mul3A_380 : vector<1000x16xf32>
      %convert_element_type3A_382 = arith.truncf %exp3A_381 : vector<1000x16xf32> to vector<1000x16xbf16>
      %get3A_383 = arith.constant 0 : index
      %get3A_384 = arith.constant 0 : index
      %get3A_385 = vector.load %arg5[%get3A_383, %get3A_384] : memref<26x256xbf16, #tpu.memory_space<vmem>>, vector<26x256xbf16>
      %dot_general3A_386 = arith.constant dense<0.000000e+00> : vector<1000x256xf32>
      %dot_general3A_387 = tpu.matmul %slice3A_355, %get3A_385, %dot_general3A_386 {dimension_numbers = #tpu.dot_dimension_numbers<[1], [0], [0], [1], [0, 0, 1, 1], [], []>, transpose_lhs_hint = false} : vector<1000x26xbf16>, vector<26x256xbf16>, vector<1000x256xf32> -> vector<1000x256xf32>
      %get3A_388 = arith.constant 0 : index
      %get3A_389 = arith.constant 0 : index
      %get3A_390 = vector.load %arg6[%get3A_388, %get3A_389] : memref<16x256xbf16, #tpu.memory_space<vmem>>, vector<16x256xbf16>
      %dot_general3A_391 = arith.constant dense<0.000000e+00> : vector<1000x256xf32>
      %dot_general3A_392 = tpu.matmul %convert_element_type3A_382, %get3A_390, %dot_general3A_391 {dimension_numbers = #tpu.dot_dimension_numbers<[1], [0], [0], [1], [0, 0, 1, 1], [], []>, transpose_lhs_hint = false} : vector<1000x16xbf16>, vector<16x256xbf16>, vector<1000x256xf32> -> vector<1000x256xf32>
      %add3A_393 = arith.addf %dot_general3A_387, %dot_general3A_392 : vector<1000x256xf32>
      %add3A_394 = arith.addf %add3A_393, %add3A_54 : vector<1000x256xf32>
      %max3A_395 = arith.constant 0.000000e+00 : f32
      %max3A_396 = vector.broadcast %max3A_395 : f32 to vector<1000x256xf32>
      %max3A_397 = arith.maximumf %add3A_394, %max3A_396 : vector<1000x256xf32>
      %convert_element_type3A_398 = arith.truncf %max3A_397 : vector<1000x256xf32> to vector<1000x256xbf16>
      %get3A_399 = arith.constant 0 : index
      %get3A_400 = arith.constant 0 : index
      %get3A_401 = vector.load %arg10[%get3A_399, %get3A_400] : memref<256x256xbf16, #tpu.memory_space<vmem>>, vector<256x256xbf16>
      %dot_general3A_402 = arith.constant dense<0.000000e+00> : vector<1000x256xf32>
      %dot_general3A_403 = tpu.matmul %convert_element_type3A_398, %get3A_401, %dot_general3A_402 {dimension_numbers = #tpu.dot_dimension_numbers<[1], [0], [0], [1], [0, 0, 1, 1], [], []>, transpose_lhs_hint = false} : vector<1000x256xbf16>, vector<256x256xbf16>, vector<1000x256xf32> -> vector<1000x256xf32>
      %get3A_404 = arith.constant 0 : index
      %get3A_405 = arith.constant 0 : index
      %get3A_406 = vector.load %arg11[%get3A_404, %get3A_405] : memref<1x256xf32, #tpu.memory_space<vmem>>, vector<1x256xf32>
      %add3A_407 = vector.broadcast %get3A_406 : vector<1x256xf32> to vector<1000x256xf32>
      %add3A_408 = arith.addf %dot_general3A_403, %add3A_407 : vector<1000x256xf32>
      %max3A_409 = arith.constant 0.000000e+00 : f32
      %max3A_410 = vector.broadcast %max3A_409 : f32 to vector<1000x256xf32>
      %max3A_411 = arith.maximumf %add3A_408, %max3A_410 : vector<1000x256xf32>
      %convert_element_type3A_412 = arith.truncf %max3A_411 : vector<1000x256xf32> to vector<1000x256xbf16>
      %get3A_413 = arith.constant 0 : index
      %get3A_414 = arith.constant 0 : index
      %get3A_415 = vector.load %arg12[%get3A_413, %get3A_414] : memref<256x256xbf16, #tpu.memory_space<vmem>>, vector<256x256xbf16>
      %dot_general3A_416 = arith.constant dense<0.000000e+00> : vector<1000x256xf32>
      %dot_general3A_417 = tpu.matmul %convert_element_type3A_412, %get3A_415, %dot_general3A_416 {dimension_numbers = #tpu.dot_dimension_numbers<[1], [0], [0], [1], [0, 0, 1, 1], [], []>, transpose_lhs_hint = false} : vector<1000x256xbf16>, vector<256x256xbf16>, vector<1000x256xf32> -> vector<1000x256xf32>
      %get3A_418 = arith.constant 0 : index
      %get3A_419 = arith.constant 0 : index
      %get3A_420 = vector.load %arg13[%get3A_418, %get3A_419] : memref<1x256xf32, #tpu.memory_space<vmem>>, vector<1x256xf32>
      %add3A_421 = vector.broadcast %get3A_420 : vector<1x256xf32> to vector<1000x256xf32>
      %add3A_422 = arith.addf %dot_general3A_417, %add3A_421 : vector<1000x256xf32>
      %max3A_423 = arith.constant 0.000000e+00 : f32
      %max3A_424 = vector.broadcast %max3A_423 : f32 to vector<1000x256xf32>
      %max3A_425 = arith.maximumf %add3A_422, %max3A_424 : vector<1000x256xf32>
      %convert_element_type3A_426 = arith.truncf %max3A_425 : vector<1000x256xf32> to vector<1000x256xbf16>
      %get3A_427 = arith.constant 0 : index
      %get3A_428 = arith.constant 0 : index
      %get3A_429 = vector.load %arg14[%get3A_427, %get3A_428] : memref<256x129xbf16, #tpu.memory_space<vmem>>, vector<256x129xbf16>
      %dot_general3A_430 = arith.constant dense<0.000000e+00> : vector<1000x129xf32>
      %dot_general3A_431 = tpu.matmul %convert_element_type3A_426, %get3A_429, %dot_general3A_430 {dimension_numbers = #tpu.dot_dimension_numbers<[1], [0], [0], [1], [0, 0, 1, 1], [], []>, transpose_lhs_hint = false} : vector<1000x256xbf16>, vector<256x129xbf16>, vector<1000x129xf32> -> vector<1000x129xf32>
      %get3A_432 = arith.constant 0 : index
      %get3A_433 = arith.constant 0 : index
      %get3A_434 = vector.load %arg15[%get3A_432, %get3A_433] : memref<1x129xf32, #tpu.memory_space<vmem>>, vector<1x129xf32>
      %add3A_435 = vector.broadcast %get3A_434 : vector<1x129xf32> to vector<1000x129xf32>
      %add3A_436 = arith.addf %dot_general3A_431, %add3A_435 : vector<1000x129xf32>
      %slice3A_437 = vector.extract_strided_slice %add3A_436 {offsets = [0, 0], sizes = [1000, 128], strides = [1, 1]} : vector<1000x129xf32> to vector<1000x128xf32>
      %slice3A_438 = vector.extract_strided_slice %add3A_436 {offsets = [0, 128], sizes = [1000, 1], strides = [1, 1]} : vector<1000x129xf32> to vector<1000x1xf32>
      %mul3A_439 = vector.broadcast %slice3A_438 : vector<1000x1xf32> to vector<1000x128xf32>
      %mul3A_440 = arith.mulf %slice3A_437, %mul3A_439 : vector<1000x128xf32>
      %convert_element_type3A_441 = arith.truncf %mul3A_440 : vector<1000x128xf32> to vector<1000x128xbf16>
      %mul3A_442 = arith.constant 2 : i32
      %mul3A_443 = arith.muli %mul3A_442, %scan3A_347 : i32
      %add3A_444 = arith.constant 1 : i32
      %add3A_445 = arith.addi %mul3A_443, %add3A_444 : i32
      %get3A_446 = arith.index_cast %add3A_445 : i32 to index
      %get3A_447 = arith.constant 0 : index
      %get3A_448 = arith.constant 0 : index
      %get3A_449 = vector.load %arg1[%get3A_446, %get3A_447, %get3A_448] : memref<30x1000x32xbf16, #tpu.memory_space<vmem>>, vector<1x1000x32xbf16>
      %get3A_450 = vector.shape_cast %get3A_449 : vector<1x1000x32xbf16> to vector<1000x32xbf16>
      %slice3A_451 = vector.extract_strided_slice %get3A_450 {offsets = [0, 0], sizes = [1000, 26], strides = [1, 1]} : vector<1000x32xbf16> to vector<1000x26xbf16>
      %slice3A_452 = vector.extract_strided_slice %get3A_450 {offsets = [0, 26], sizes = [1000, 1], strides = [1, 1]} : vector<1000x32xbf16> to vector<1000x1xbf16>
      %convert_element_type3A_453 = arith.extf %slice3A_452 : vector<1000x1xbf16> to vector<1000x1xf32>
      %sub3A_454 = arith.subf %get3A_6, %convert_element_type3A_453 : vector<1000x1xf32>
      %integer_pow3A_455 = arith.mulf %sub3A_454, %sub3A_454 : vector<1000x1xf32>
      %slice3A_456 = vector.extract_strided_slice %get3A_450 {offsets = [0, 27], sizes = [1000, 1], strides = [1, 1]} : vector<1000x32xbf16> to vector<1000x1xbf16>
      %convert_element_type3A_457 = arith.extf %slice3A_456 : vector<1000x1xbf16> to vector<1000x1xf32>
      %sub3A_458 = arith.subf %get3A_9, %convert_element_type3A_457 : vector<1000x1xf32>
      %integer_pow3A_459 = arith.mulf %sub3A_458, %sub3A_458 : vector<1000x1xf32>
      %add3A_460 = arith.addf %integer_pow3A_455, %integer_pow3A_459 : vector<1000x1xf32>
      %slice3A_461 = vector.extract_strided_slice %get3A_450 {offsets = [0, 28], sizes = [1000, 1], strides = [1, 1]} : vector<1000x32xbf16> to vector<1000x1xbf16>
      %convert_element_type3A_462 = arith.extf %slice3A_461 : vector<1000x1xbf16> to vector<1000x1xf32>
      %sub3A_463 = arith.subf %get3A_12, %convert_element_type3A_462 : vector<1000x1xf32>
      %integer_pow3A_464 = arith.mulf %sub3A_463, %sub3A_463 : vector<1000x1xf32>
      %add3A_465 = arith.addf %add3A_460, %integer_pow3A_464 : vector<1000x1xf32>
      %add3A_466 = arith.constant 9.99999996E-13 : f32
      %add3A_467 = vector.broadcast %add3A_466 : f32 to vector<1000x1xf32>
      %add3A_468 = arith.addf %add3A_465, %add3A_467 : vector<1000x1xf32>
      %sqrt3A_469 = math.sqrt %add3A_468 : vector<1000x1xf32>
      %sub3A_470 = vector.broadcast %sqrt3A_469 : vector<1000x1xf32> to vector<1000x16xf32>
      %sub3A_471 = vector.broadcast %mul3A_4 : vector<1x16xf32> to vector<1000x16xf32>
      %sub3A_472 = arith.subf %sub3A_470, %sub3A_471 : vector<1000x16xf32>
      %integer_pow3A_473 = arith.mulf %sub3A_472, %sub3A_472 : vector<1000x16xf32>
      %mul3A_474 = arith.constant -2.812500e-01 : f32
      %mul3A_475 = vector.broadcast %mul3A_474 : f32 to vector<1000x16xf32>
      %mul3A_476 = arith.mulf %integer_pow3A_473, %mul3A_475 : vector<1000x16xf32>
      %exp3A_477 = math.exp %mul3A_476 : vector<1000x16xf32>
      %convert_element_type3A_478 = arith.truncf %exp3A_477 : vector<1000x16xf32> to vector<1000x16xbf16>
      %get3A_479 = arith.constant 0 : index
      %get3A_480 = arith.constant 0 : index
      %get3A_481 = vector.load %arg5[%get3A_479, %get3A_480] : memref<26x256xbf16, #tpu.memory_space<vmem>>, vector<26x256xbf16>
      %dot_general3A_482 = arith.constant dense<0.000000e+00> : vector<1000x256xf32>
      %dot_general3A_483 = tpu.matmul %slice3A_451, %get3A_481, %dot_general3A_482 {dimension_numbers = #tpu.dot_dimension_numbers<[1], [0], [0], [1], [0, 0, 1, 1], [], []>, transpose_lhs_hint = false} : vector<1000x26xbf16>, vector<26x256xbf16>, vector<1000x256xf32> -> vector<1000x256xf32>
      %get3A_484 = arith.constant 0 : index
      %get3A_485 = arith.constant 0 : index
      %get3A_486 = vector.load %arg6[%get3A_484, %get3A_485] : memref<16x256xbf16, #tpu.memory_space<vmem>>, vector<16x256xbf16>
      %dot_general3A_487 = arith.constant dense<0.000000e+00> : vector<1000x256xf32>
      %dot_general3A_488 = tpu.matmul %convert_element_type3A_478, %get3A_486, %dot_general3A_487 {dimension_numbers = #tpu.dot_dimension_numbers<[1], [0], [0], [1], [0, 0, 1, 1], [], []>, transpose_lhs_hint = false} : vector<1000x16xbf16>, vector<16x256xbf16>, vector<1000x256xf32> -> vector<1000x256xf32>
      %add3A_489 = arith.addf %dot_general3A_483, %dot_general3A_488 : vector<1000x256xf32>
      %add3A_490 = arith.addf %add3A_489, %add3A_54 : vector<1000x256xf32>
      %max3A_491 = arith.constant 0.000000e+00 : f32
      %max3A_492 = vector.broadcast %max3A_491 : f32 to vector<1000x256xf32>
      %max3A_493 = arith.maximumf %add3A_490, %max3A_492 : vector<1000x256xf32>
      %convert_element_type3A_494 = arith.truncf %max3A_493 : vector<1000x256xf32> to vector<1000x256xbf16>
      %get3A_495 = arith.constant 0 : index
      %get3A_496 = arith.constant 0 : index
      %get3A_497 = vector.load %arg10[%get3A_495, %get3A_496] : memref<256x256xbf16, #tpu.memory_space<vmem>>, vector<256x256xbf16>
      %dot_general3A_498 = arith.constant dense<0.000000e+00> : vector<1000x256xf32>
      %dot_general3A_499 = tpu.matmul %convert_element_type3A_494, %get3A_497, %dot_general3A_498 {dimension_numbers = #tpu.dot_dimension_numbers<[1], [0], [0], [1], [0, 0, 1, 1], [], []>, transpose_lhs_hint = false} : vector<1000x256xbf16>, vector<256x256xbf16>, vector<1000x256xf32> -> vector<1000x256xf32>
      %get3A_500 = arith.constant 0 : index
      %get3A_501 = arith.constant 0 : index
      %get3A_502 = vector.load %arg11[%get3A_500, %get3A_501] : memref<1x256xf32, #tpu.memory_space<vmem>>, vector<1x256xf32>
      %add3A_503 = vector.broadcast %get3A_502 : vector<1x256xf32> to vector<1000x256xf32>
      %add3A_504 = arith.addf %dot_general3A_499, %add3A_503 : vector<1000x256xf32>
      %max3A_505 = arith.constant 0.000000e+00 : f32
      %max3A_506 = vector.broadcast %max3A_505 : f32 to vector<1000x256xf32>
      %max3A_507 = arith.maximumf %add3A_504, %max3A_506 : vector<1000x256xf32>
      %convert_element_type3A_508 = arith.truncf %max3A_507 : vector<1000x256xf32> to vector<1000x256xbf16>
      %get3A_509 = arith.constant 0 : index
      %get3A_510 = arith.constant 0 : index
      %get3A_511 = vector.load %arg12[%get3A_509, %get3A_510] : memref<256x256xbf16, #tpu.memory_space<vmem>>, vector<256x256xbf16>
      %dot_general3A_512 = arith.constant dense<0.000000e+00> : vector<1000x256xf32>
      %dot_general3A_513 = tpu.matmul %convert_element_type3A_508, %get3A_511, %dot_general3A_512 {dimension_numbers = #tpu.dot_dimension_numbers<[1], [0], [0], [1], [0, 0, 1, 1], [], []>, transpose_lhs_hint = false} : vector<1000x256xbf16>, vector<256x256xbf16>, vector<1000x256xf32> -> vector<1000x256xf32>
      %get3A_514 = arith.constant 0 : index
      %get3A_515 = arith.constant 0 : index
      %get3A_516 = vector.load %arg13[%get3A_514, %get3A_515] : memref<1x256xf32, #tpu.memory_space<vmem>>, vector<1x256xf32>
      %add3A_517 = vector.broadcast %get3A_516 : vector<1x256xf32> to vector<1000x256xf32>
      %add3A_518 = arith.addf %dot_general3A_513, %add3A_517 : vector<1000x256xf32>
      %max3A_519 = arith.constant 0.000000e+00 : f32
      %max3A_520 = vector.broadcast %max3A_519 : f32 to vector<1000x256xf32>
      %max3A_521 = arith.maximumf %add3A_518, %max3A_520 : vector<1000x256xf32>
      %convert_element_type3A_522 = arith.truncf %max3A_521 : vector<1000x256xf32> to vector<1000x256xbf16>
      %get3A_523 = arith.constant 0 : index
      %get3A_524 = arith.constant 0 : index
      %get3A_525 = vector.load %arg14[%get3A_523, %get3A_524] : memref<256x129xbf16, #tpu.memory_space<vmem>>, vector<256x129xbf16>
      %dot_general3A_526 = arith.constant dense<0.000000e+00> : vector<1000x129xf32>
      %dot_general3A_527 = tpu.matmul %convert_element_type3A_522, %get3A_525, %dot_general3A_526 {dimension_numbers = #tpu.dot_dimension_numbers<[1], [0], [0], [1], [0, 0, 1, 1], [], []>, transpose_lhs_hint = false} : vector<1000x256xbf16>, vector<256x129xbf16>, vector<1000x129xf32> -> vector<1000x129xf32>
      %get3A_528 = arith.constant 0 : index
      %get3A_529 = arith.constant 0 : index
      %get3A_530 = vector.load %arg15[%get3A_528, %get3A_529] : memref<1x129xf32, #tpu.memory_space<vmem>>, vector<1x129xf32>
      %add3A_531 = vector.broadcast %get3A_530 : vector<1x129xf32> to vector<1000x129xf32>
      %add3A_532 = arith.addf %dot_general3A_527, %add3A_531 : vector<1000x129xf32>
      %slice3A_533 = vector.extract_strided_slice %add3A_532 {offsets = [0, 0], sizes = [1000, 128], strides = [1, 1]} : vector<1000x129xf32> to vector<1000x128xf32>
      %slice3A_534 = vector.extract_strided_slice %add3A_532 {offsets = [0, 128], sizes = [1000, 1], strides = [1, 1]} : vector<1000x129xf32> to vector<1000x1xf32>
      %mul3A_535 = vector.broadcast %slice3A_534 : vector<1000x1xf32> to vector<1000x128xf32>
      %mul3A_536 = arith.mulf %slice3A_533, %mul3A_535 : vector<1000x128xf32>
      %convert_element_type3A_537 = arith.truncf %mul3A_536 : vector<1000x128xf32> to vector<1000x128xbf16>
      %concatenate3A_538 = tpu.concatenate %convert_element_type3A_441, %convert_element_type3A_537 in 1 : vector<1000x128xbf16>, vector<1000x128xbf16> -> vector<1000x256xbf16>
      %get3A_539 = arith.index_cast %scan3A_347 : i32 to index
      %get3A_540 = arith.constant 0 : index
      %get3A_541 = arith.constant 0 : index
      %get3A_542 = vector.load %arg16[%get3A_539, %get3A_540, %get3A_541] : memref<15x256x300xbf16, #tpu.memory_space<vmem>>, vector<1x256x300xbf16>
      %get3A_543 = vector.shape_cast %get3A_542 : vector<1x256x300xbf16> to vector<256x300xbf16>
      %dot_general3A_544 = arith.constant dense<0.000000e+00> : vector<1000x300xf32>
      %dot_general3A_545 = tpu.matmul %concatenate3A_538, %get3A_543, %dot_general3A_544 {dimension_numbers = #tpu.dot_dimension_numbers<[1], [0], [0], [1], [0, 0, 1, 1], [], []>, transpose_lhs_hint = false} : vector<1000x256xbf16>, vector<256x300xbf16>, vector<1000x300xf32> -> vector<1000x300xf32>
      %add3A_546 = arith.addf %add3A_345, %dot_general3A_545 : vector<1000x300xf32>
      %scan3A_547 = arith.constant 2 : i32
      %scan3A_548 = arith.addi %scan3A_145, %scan3A_547 : i32
      %mul3A_549 = arith.constant 2 : i32
      %mul3A_550 = arith.muli %mul3A_549, %scan3A_548 : i32
      %get3A_551 = arith.index_cast %mul3A_550 : i32 to index
      %get3A_552 = arith.constant 0 : index
      %get3A_553 = arith.constant 0 : index
      %get3A_554 = vector.load %arg1[%get3A_551, %get3A_552, %get3A_553] : memref<30x1000x32xbf16, #tpu.memory_space<vmem>>, vector<1x1000x32xbf16>
      %get3A_555 = vector.shape_cast %get3A_554 : vector<1x1000x32xbf16> to vector<1000x32xbf16>
      %slice3A_556 = vector.extract_strided_slice %get3A_555 {offsets = [0, 0], sizes = [1000, 26], strides = [1, 1]} : vector<1000x32xbf16> to vector<1000x26xbf16>
      %slice3A_557 = vector.extract_strided_slice %get3A_555 {offsets = [0, 26], sizes = [1000, 1], strides = [1, 1]} : vector<1000x32xbf16> to vector<1000x1xbf16>
      %convert_element_type3A_558 = arith.extf %slice3A_557 : vector<1000x1xbf16> to vector<1000x1xf32>
      %sub3A_559 = arith.subf %get3A_6, %convert_element_type3A_558 : vector<1000x1xf32>
      %integer_pow3A_560 = arith.mulf %sub3A_559, %sub3A_559 : vector<1000x1xf32>
      %slice3A_561 = vector.extract_strided_slice %get3A_555 {offsets = [0, 27], sizes = [1000, 1], strides = [1, 1]} : vector<1000x32xbf16> to vector<1000x1xbf16>
      %convert_element_type3A_562 = arith.extf %slice3A_561 : vector<1000x1xbf16> to vector<1000x1xf32>
      %sub3A_563 = arith.subf %get3A_9, %convert_element_type3A_562 : vector<1000x1xf32>
      %integer_pow3A_564 = arith.mulf %sub3A_563, %sub3A_563 : vector<1000x1xf32>
      %add3A_565 = arith.addf %integer_pow3A_560, %integer_pow3A_564 : vector<1000x1xf32>
      %slice3A_566 = vector.extract_strided_slice %get3A_555 {offsets = [0, 28], sizes = [1000, 1], strides = [1, 1]} : vector<1000x32xbf16> to vector<1000x1xbf16>
      %convert_element_type3A_567 = arith.extf %slice3A_566 : vector<1000x1xbf16> to vector<1000x1xf32>
      %sub3A_568 = arith.subf %get3A_12, %convert_element_type3A_567 : vector<1000x1xf32>
      %integer_pow3A_569 = arith.mulf %sub3A_568, %sub3A_568 : vector<1000x1xf32>
      %add3A_570 = arith.addf %add3A_565, %integer_pow3A_569 : vector<1000x1xf32>
      %add3A_571 = arith.constant 9.99999996E-13 : f32
      %add3A_572 = vector.broadcast %add3A_571 : f32 to vector<1000x1xf32>
      %add3A_573 = arith.addf %add3A_570, %add3A_572 : vector<1000x1xf32>
      %sqrt3A_574 = math.sqrt %add3A_573 : vector<1000x1xf32>
      %sub3A_575 = vector.broadcast %sqrt3A_574 : vector<1000x1xf32> to vector<1000x16xf32>
      %sub3A_576 = vector.broadcast %mul3A_4 : vector<1x16xf32> to vector<1000x16xf32>
      %sub3A_577 = arith.subf %sub3A_575, %sub3A_576 : vector<1000x16xf32>
      %integer_pow3A_578 = arith.mulf %sub3A_577, %sub3A_577 : vector<1000x16xf32>
      %mul3A_579 = arith.constant -2.812500e-01 : f32
      %mul3A_580 = vector.broadcast %mul3A_579 : f32 to vector<1000x16xf32>
      %mul3A_581 = arith.mulf %integer_pow3A_578, %mul3A_580 : vector<1000x16xf32>
      %exp3A_582 = math.exp %mul3A_581 : vector<1000x16xf32>
      %convert_element_type3A_583 = arith.truncf %exp3A_582 : vector<1000x16xf32> to vector<1000x16xbf16>
      %get3A_584 = arith.constant 0 : index
      %get3A_585 = arith.constant 0 : index
      %get3A_586 = vector.load %arg5[%get3A_584, %get3A_585] : memref<26x256xbf16, #tpu.memory_space<vmem>>, vector<26x256xbf16>
      %dot_general3A_587 = arith.constant dense<0.000000e+00> : vector<1000x256xf32>
      %dot_general3A_588 = tpu.matmul %slice3A_556, %get3A_586, %dot_general3A_587 {dimension_numbers = #tpu.dot_dimension_numbers<[1], [0], [0], [1], [0, 0, 1, 1], [], []>, transpose_lhs_hint = false} : vector<1000x26xbf16>, vector<26x256xbf16>, vector<1000x256xf32> -> vector<1000x256xf32>
      %get3A_589 = arith.constant 0 : index
      %get3A_590 = arith.constant 0 : index
      %get3A_591 = vector.load %arg6[%get3A_589, %get3A_590] : memref<16x256xbf16, #tpu.memory_space<vmem>>, vector<16x256xbf16>
      %dot_general3A_592 = arith.constant dense<0.000000e+00> : vector<1000x256xf32>
      %dot_general3A_593 = tpu.matmul %convert_element_type3A_583, %get3A_591, %dot_general3A_592 {dimension_numbers = #tpu.dot_dimension_numbers<[1], [0], [0], [1], [0, 0, 1, 1], [], []>, transpose_lhs_hint = false} : vector<1000x16xbf16>, vector<16x256xbf16>, vector<1000x256xf32> -> vector<1000x256xf32>
      %add3A_594 = arith.addf %dot_general3A_588, %dot_general3A_593 : vector<1000x256xf32>
      %add3A_595 = arith.addf %add3A_594, %add3A_54 : vector<1000x256xf32>
      %max3A_596 = arith.constant 0.000000e+00 : f32
      %max3A_597 = vector.broadcast %max3A_596 : f32 to vector<1000x256xf32>
      %max3A_598 = arith.maximumf %add3A_595, %max3A_597 : vector<1000x256xf32>
      %convert_element_type3A_599 = arith.truncf %max3A_598 : vector<1000x256xf32> to vector<1000x256xbf16>
      %get3A_600 = arith.constant 0 : index
      %get3A_601 = arith.constant 0 : index
      %get3A_602 = vector.load %arg10[%get3A_600, %get3A_601] : memref<256x256xbf16, #tpu.memory_space<vmem>>, vector<256x256xbf16>
      %dot_general3A_603 = arith.constant dense<0.000000e+00> : vector<1000x256xf32>
      %dot_general3A_604 = tpu.matmul %convert_element_type3A_599, %get3A_602, %dot_general3A_603 {dimension_numbers = #tpu.dot_dimension_numbers<[1], [0], [0], [1], [0, 0, 1, 1], [], []>, transpose_lhs_hint = false} : vector<1000x256xbf16>, vector<256x256xbf16>, vector<1000x256xf32> -> vector<1000x256xf32>
      %get3A_605 = arith.constant 0 : index
      %get3A_606 = arith.constant 0 : index
      %get3A_607 = vector.load %arg11[%get3A_605, %get3A_606] : memref<1x256xf32, #tpu.memory_space<vmem>>, vector<1x256xf32>
      %add3A_608 = vector.broadcast %get3A_607 : vector<1x256xf32> to vector<1000x256xf32>
      %add3A_609 = arith.addf %dot_general3A_604, %add3A_608 : vector<1000x256xf32>
      %max3A_610 = arith.constant 0.000000e+00 : f32
      %max3A_611 = vector.broadcast %max3A_610 : f32 to vector<1000x256xf32>
      %max3A_612 = arith.maximumf %add3A_609, %max3A_611 : vector<1000x256xf32>
      %convert_element_type3A_613 = arith.truncf %max3A_612 : vector<1000x256xf32> to vector<1000x256xbf16>
      %get3A_614 = arith.constant 0 : index
      %get3A_615 = arith.constant 0 : index
      %get3A_616 = vector.load %arg12[%get3A_614, %get3A_615] : memref<256x256xbf16, #tpu.memory_space<vmem>>, vector<256x256xbf16>
      %dot_general3A_617 = arith.constant dense<0.000000e+00> : vector<1000x256xf32>
      %dot_general3A_618 = tpu.matmul %convert_element_type3A_613, %get3A_616, %dot_general3A_617 {dimension_numbers = #tpu.dot_dimension_numbers<[1], [0], [0], [1], [0, 0, 1, 1], [], []>, transpose_lhs_hint = false} : vector<1000x256xbf16>, vector<256x256xbf16>, vector<1000x256xf32> -> vector<1000x256xf32>
      %get3A_619 = arith.constant 0 : index
      %get3A_620 = arith.constant 0 : index
      %get3A_621 = vector.load %arg13[%get3A_619, %get3A_620] : memref<1x256xf32, #tpu.memory_space<vmem>>, vector<1x256xf32>
      %add3A_622 = vector.broadcast %get3A_621 : vector<1x256xf32> to vector<1000x256xf32>
      %add3A_623 = arith.addf %dot_general3A_618, %add3A_622 : vector<1000x256xf32>
      %max3A_624 = arith.constant 0.000000e+00 : f32
      %max3A_625 = vector.broadcast %max3A_624 : f32 to vector<1000x256xf32>
      %max3A_626 = arith.maximumf %add3A_623, %max3A_625 : vector<1000x256xf32>
      %convert_element_type3A_627 = arith.truncf %max3A_626 : vector<1000x256xf32> to vector<1000x256xbf16>
      %get3A_628 = arith.constant 0 : index
      %get3A_629 = arith.constant 0 : index
      %get3A_630 = vector.load %arg14[%get3A_628, %get3A_629] : memref<256x129xbf16, #tpu.memory_space<vmem>>, vector<256x129xbf16>
      %dot_general3A_631 = arith.constant dense<0.000000e+00> : vector<1000x129xf32>
      %dot_general3A_632 = tpu.matmul %convert_element_type3A_627, %get3A_630, %dot_general3A_631 {dimension_numbers = #tpu.dot_dimension_numbers<[1], [0], [0], [1], [0, 0, 1, 1], [], []>, transpose_lhs_hint = false} : vector<1000x256xbf16>, vector<256x129xbf16>, vector<1000x129xf32> -> vector<1000x129xf32>
      %get3A_633 = arith.constant 0 : index
      %get3A_634 = arith.constant 0 : index
      %get3A_635 = vector.load %arg15[%get3A_633, %get3A_634] : memref<1x129xf32, #tpu.memory_space<vmem>>, vector<1x129xf32>
      %add3A_636 = vector.broadcast %get3A_635 : vector<1x129xf32> to vector<1000x129xf32>
      %add3A_637 = arith.addf %dot_general3A_632, %add3A_636 : vector<1000x129xf32>
      %slice3A_638 = vector.extract_strided_slice %add3A_637 {offsets = [0, 0], sizes = [1000, 128], strides = [1, 1]} : vector<1000x129xf32> to vector<1000x128xf32>
      %slice3A_639 = vector.extract_strided_slice %add3A_637 {offsets = [0, 128], sizes = [1000, 1], strides = [1, 1]} : vector<1000x129xf32> to vector<1000x1xf32>
      %mul3A_640 = vector.broadcast %slice3A_639 : vector<1000x1xf32> to vector<1000x128xf32>
      %mul3A_641 = arith.mulf %slice3A_638, %mul3A_640 : vector<1000x128xf32>
      %convert_element_type3A_642 = arith.truncf %mul3A_641 : vector<1000x128xf32> to vector<1000x128xbf16>
      %mul3A_643 = arith.constant 2 : i32
      %mul3A_644 = arith.muli %mul3A_643, %scan3A_548 : i32
      %add3A_645 = arith.constant 1 : i32
      %add3A_646 = arith.addi %mul3A_644, %add3A_645 : i32
      %get3A_647 = arith.index_cast %add3A_646 : i32 to index
      %get3A_648 = arith.constant 0 : index
      %get3A_649 = arith.constant 0 : index
      %get3A_650 = vector.load %arg1[%get3A_647, %get3A_648, %get3A_649] : memref<30x1000x32xbf16, #tpu.memory_space<vmem>>, vector<1x1000x32xbf16>
      %get3A_651 = vector.shape_cast %get3A_650 : vector<1x1000x32xbf16> to vector<1000x32xbf16>
      %slice3A_652 = vector.extract_strided_slice %get3A_651 {offsets = [0, 0], sizes = [1000, 26], strides = [1, 1]} : vector<1000x32xbf16> to vector<1000x26xbf16>
      %slice3A_653 = vector.extract_strided_slice %get3A_651 {offsets = [0, 26], sizes = [1000, 1], strides = [1, 1]} : vector<1000x32xbf16> to vector<1000x1xbf16>
      %convert_element_type3A_654 = arith.extf %slice3A_653 : vector<1000x1xbf16> to vector<1000x1xf32>
      %sub3A_655 = arith.subf %get3A_6, %convert_element_type3A_654 : vector<1000x1xf32>
      %integer_pow3A_656 = arith.mulf %sub3A_655, %sub3A_655 : vector<1000x1xf32>
      %slice3A_657 = vector.extract_strided_slice %get3A_651 {offsets = [0, 27], sizes = [1000, 1], strides = [1, 1]} : vector<1000x32xbf16> to vector<1000x1xbf16>
      %convert_element_type3A_658 = arith.extf %slice3A_657 : vector<1000x1xbf16> to vector<1000x1xf32>
      %sub3A_659 = arith.subf %get3A_9, %convert_element_type3A_658 : vector<1000x1xf32>
      %integer_pow3A_660 = arith.mulf %sub3A_659, %sub3A_659 : vector<1000x1xf32>
      %add3A_661 = arith.addf %integer_pow3A_656, %integer_pow3A_660 : vector<1000x1xf32>
      %slice3A_662 = vector.extract_strided_slice %get3A_651 {offsets = [0, 28], sizes = [1000, 1], strides = [1, 1]} : vector<1000x32xbf16> to vector<1000x1xbf16>
      %convert_element_type3A_663 = arith.extf %slice3A_662 : vector<1000x1xbf16> to vector<1000x1xf32>
      %sub3A_664 = arith.subf %get3A_12, %convert_element_type3A_663 : vector<1000x1xf32>
      %integer_pow3A_665 = arith.mulf %sub3A_664, %sub3A_664 : vector<1000x1xf32>
      %add3A_666 = arith.addf %add3A_661, %integer_pow3A_665 : vector<1000x1xf32>
      %add3A_667 = arith.constant 9.99999996E-13 : f32
      %add3A_668 = vector.broadcast %add3A_667 : f32 to vector<1000x1xf32>
      %add3A_669 = arith.addf %add3A_666, %add3A_668 : vector<1000x1xf32>
      %sqrt3A_670 = math.sqrt %add3A_669 : vector<1000x1xf32>
      %sub3A_671 = vector.broadcast %sqrt3A_670 : vector<1000x1xf32> to vector<1000x16xf32>
      %sub3A_672 = vector.broadcast %mul3A_4 : vector<1x16xf32> to vector<1000x16xf32>
      %sub3A_673 = arith.subf %sub3A_671, %sub3A_672 : vector<1000x16xf32>
      %integer_pow3A_674 = arith.mulf %sub3A_673, %sub3A_673 : vector<1000x16xf32>
      %mul3A_675 = arith.constant -2.812500e-01 : f32
      %mul3A_676 = vector.broadcast %mul3A_675 : f32 to vector<1000x16xf32>
      %mul3A_677 = arith.mulf %integer_pow3A_674, %mul3A_676 : vector<1000x16xf32>
      %exp3A_678 = math.exp %mul3A_677 : vector<1000x16xf32>
      %convert_element_type3A_679 = arith.truncf %exp3A_678 : vector<1000x16xf32> to vector<1000x16xbf16>
      %get3A_680 = arith.constant 0 : index
      %get3A_681 = arith.constant 0 : index
      %get3A_682 = vector.load %arg5[%get3A_680, %get3A_681] : memref<26x256xbf16, #tpu.memory_space<vmem>>, vector<26x256xbf16>
      %dot_general3A_683 = arith.constant dense<0.000000e+00> : vector<1000x256xf32>
      %dot_general3A_684 = tpu.matmul %slice3A_652, %get3A_682, %dot_general3A_683 {dimension_numbers = #tpu.dot_dimension_numbers<[1], [0], [0], [1], [0, 0, 1, 1], [], []>, transpose_lhs_hint = false} : vector<1000x26xbf16>, vector<26x256xbf16>, vector<1000x256xf32> -> vector<1000x256xf32>
      %get3A_685 = arith.constant 0 : index
      %get3A_686 = arith.constant 0 : index
      %get3A_687 = vector.load %arg6[%get3A_685, %get3A_686] : memref<16x256xbf16, #tpu.memory_space<vmem>>, vector<16x256xbf16>
      %dot_general3A_688 = arith.constant dense<0.000000e+00> : vector<1000x256xf32>
      %dot_general3A_689 = tpu.matmul %convert_element_type3A_679, %get3A_687, %dot_general3A_688 {dimension_numbers = #tpu.dot_dimension_numbers<[1], [0], [0], [1], [0, 0, 1, 1], [], []>, transpose_lhs_hint = false} : vector<1000x16xbf16>, vector<16x256xbf16>, vector<1000x256xf32> -> vector<1000x256xf32>
      %add3A_690 = arith.addf %dot_general3A_684, %dot_general3A_689 : vector<1000x256xf32>
      %add3A_691 = arith.addf %add3A_690, %add3A_54 : vector<1000x256xf32>
      %max3A_692 = arith.constant 0.000000e+00 : f32
      %max3A_693 = vector.broadcast %max3A_692 : f32 to vector<1000x256xf32>
      %max3A_694 = arith.maximumf %add3A_691, %max3A_693 : vector<1000x256xf32>
      %convert_element_type3A_695 = arith.truncf %max3A_694 : vector<1000x256xf32> to vector<1000x256xbf16>
      %get3A_696 = arith.constant 0 : index
      %get3A_697 = arith.constant 0 : index
      %get3A_698 = vector.load %arg10[%get3A_696, %get3A_697] : memref<256x256xbf16, #tpu.memory_space<vmem>>, vector<256x256xbf16>
      %dot_general3A_699 = arith.constant dense<0.000000e+00> : vector<1000x256xf32>
      %dot_general3A_700 = tpu.matmul %convert_element_type3A_695, %get3A_698, %dot_general3A_699 {dimension_numbers = #tpu.dot_dimension_numbers<[1], [0], [0], [1], [0, 0, 1, 1], [], []>, transpose_lhs_hint = false} : vector<1000x256xbf16>, vector<256x256xbf16>, vector<1000x256xf32> -> vector<1000x256xf32>
      %get3A_701 = arith.constant 0 : index
      %get3A_702 = arith.constant 0 : index
      %get3A_703 = vector.load %arg11[%get3A_701, %get3A_702] : memref<1x256xf32, #tpu.memory_space<vmem>>, vector<1x256xf32>
      %add3A_704 = vector.broadcast %get3A_703 : vector<1x256xf32> to vector<1000x256xf32>
      %add3A_705 = arith.addf %dot_general3A_700, %add3A_704 : vector<1000x256xf32>
      %max3A_706 = arith.constant 0.000000e+00 : f32
      %max3A_707 = vector.broadcast %max3A_706 : f32 to vector<1000x256xf32>
      %max3A_708 = arith.maximumf %add3A_705, %max3A_707 : vector<1000x256xf32>
      %convert_element_type3A_709 = arith.truncf %max3A_708 : vector<1000x256xf32> to vector<1000x256xbf16>
      %get3A_710 = arith.constant 0 : index
      %get3A_711 = arith.constant 0 : index
      %get3A_712 = vector.load %arg12[%get3A_710, %get3A_711] : memref<256x256xbf16, #tpu.memory_space<vmem>>, vector<256x256xbf16>
      %dot_general3A_713 = arith.constant dense<0.000000e+00> : vector<1000x256xf32>
      %dot_general3A_714 = tpu.matmul %convert_element_type3A_709, %get3A_712, %dot_general3A_713 {dimension_numbers = #tpu.dot_dimension_numbers<[1], [0], [0], [1], [0, 0, 1, 1], [], []>, transpose_lhs_hint = false} : vector<1000x256xbf16>, vector<256x256xbf16>, vector<1000x256xf32> -> vector<1000x256xf32>
      %get3A_715 = arith.constant 0 : index
      %get3A_716 = arith.constant 0 : index
      %get3A_717 = vector.load %arg13[%get3A_715, %get3A_716] : memref<1x256xf32, #tpu.memory_space<vmem>>, vector<1x256xf32>
      %add3A_718 = vector.broadcast %get3A_717 : vector<1x256xf32> to vector<1000x256xf32>
      %add3A_719 = arith.addf %dot_general3A_714, %add3A_718 : vector<1000x256xf32>
      %max3A_720 = arith.constant 0.000000e+00 : f32
      %max3A_721 = vector.broadcast %max3A_720 : f32 to vector<1000x256xf32>
      %max3A_722 = arith.maximumf %add3A_719, %max3A_721 : vector<1000x256xf32>
      %convert_element_type3A_723 = arith.truncf %max3A_722 : vector<1000x256xf32> to vector<1000x256xbf16>
      %get3A_724 = arith.constant 0 : index
      %get3A_725 = arith.constant 0 : index
      %get3A_726 = vector.load %arg14[%get3A_724, %get3A_725] : memref<256x129xbf16, #tpu.memory_space<vmem>>, vector<256x129xbf16>
      %dot_general3A_727 = arith.constant dense<0.000000e+00> : vector<1000x129xf32>
      %dot_general3A_728 = tpu.matmul %convert_element_type3A_723, %get3A_726, %dot_general3A_727 {dimension_numbers = #tpu.dot_dimension_numbers<[1], [0], [0], [1], [0, 0, 1, 1], [], []>, transpose_lhs_hint = false} : vector<1000x256xbf16>, vector<256x129xbf16>, vector<1000x129xf32> -> vector<1000x129xf32>
      %get3A_729 = arith.constant 0 : index
      %get3A_730 = arith.constant 0 : index
      %get3A_731 = vector.load %arg15[%get3A_729, %get3A_730] : memref<1x129xf32, #tpu.memory_space<vmem>>, vector<1x129xf32>
      %add3A_732 = vector.broadcast %get3A_731 : vector<1x129xf32> to vector<1000x129xf32>
      %add3A_733 = arith.addf %dot_general3A_728, %add3A_732 : vector<1000x129xf32>
      %slice3A_734 = vector.extract_strided_slice %add3A_733 {offsets = [0, 0], sizes = [1000, 128], strides = [1, 1]} : vector<1000x129xf32> to vector<1000x128xf32>
      %slice3A_735 = vector.extract_strided_slice %add3A_733 {offsets = [0, 128], sizes = [1000, 1], strides = [1, 1]} : vector<1000x129xf32> to vector<1000x1xf32>
      %mul3A_736 = vector.broadcast %slice3A_735 : vector<1000x1xf32> to vector<1000x128xf32>
      %mul3A_737 = arith.mulf %slice3A_734, %mul3A_736 : vector<1000x128xf32>
      %convert_element_type3A_738 = arith.truncf %mul3A_737 : vector<1000x128xf32> to vector<1000x128xbf16>
      %concatenate3A_739 = tpu.concatenate %convert_element_type3A_642, %convert_element_type3A_738 in 1 : vector<1000x128xbf16>, vector<1000x128xbf16> -> vector<1000x256xbf16>
      %get3A_740 = arith.index_cast %scan3A_548 : i32 to index
      %get3A_741 = arith.constant 0 : index
      %get3A_742 = arith.constant 0 : index
      %get3A_743 = vector.load %arg16[%get3A_740, %get3A_741, %get3A_742] : memref<15x256x300xbf16, #tpu.memory_space<vmem>>, vector<1x256x300xbf16>
      %get3A_744 = vector.shape_cast %get3A_743 : vector<1x256x300xbf16> to vector<256x300xbf16>
      %dot_general3A_745 = arith.constant dense<0.000000e+00> : vector<1000x300xf32>
      %dot_general3A_746 = tpu.matmul %concatenate3A_739, %get3A_744, %dot_general3A_745 {dimension_numbers = #tpu.dot_dimension_numbers<[1], [0], [0], [1], [0, 0, 1, 1], [], []>, transpose_lhs_hint = false} : vector<1000x256xbf16>, vector<256x300xbf16>, vector<1000x300xf32> -> vector<1000x300xf32>
      %add3A_747 = arith.addf %add3A_546, %dot_general3A_746 : vector<1000x300xf32>
      %scan3A_748 = arith.constant 3 : i32
      %scan3A_749 = arith.addi %scan3A_145, %scan3A_748 : i32
      %mul3A_750 = arith.constant 2 : i32
      %mul3A_751 = arith.muli %mul3A_750, %scan3A_749 : i32
      %get3A_752 = arith.index_cast %mul3A_751 : i32 to index
      %get3A_753 = arith.constant 0 : index
      %get3A_754 = arith.constant 0 : index
      %get3A_755 = vector.load %arg1[%get3A_752, %get3A_753, %get3A_754] : memref<30x1000x32xbf16, #tpu.memory_space<vmem>>, vector<1x1000x32xbf16>
      %get3A_756 = vector.shape_cast %get3A_755 : vector<1x1000x32xbf16> to vector<1000x32xbf16>
      %slice3A_757 = vector.extract_strided_slice %get3A_756 {offsets = [0, 0], sizes = [1000, 26], strides = [1, 1]} : vector<1000x32xbf16> to vector<1000x26xbf16>
      %slice3A_758 = vector.extract_strided_slice %get3A_756 {offsets = [0, 26], sizes = [1000, 1], strides = [1, 1]} : vector<1000x32xbf16> to vector<1000x1xbf16>
      %convert_element_type3A_759 = arith.extf %slice3A_758 : vector<1000x1xbf16> to vector<1000x1xf32>
      %sub3A_760 = arith.subf %get3A_6, %convert_element_type3A_759 : vector<1000x1xf32>
      %integer_pow3A_761 = arith.mulf %sub3A_760, %sub3A_760 : vector<1000x1xf32>
      %slice3A_762 = vector.extract_strided_slice %get3A_756 {offsets = [0, 27], sizes = [1000, 1], strides = [1, 1]} : vector<1000x32xbf16> to vector<1000x1xbf16>
      %convert_element_type3A_763 = arith.extf %slice3A_762 : vector<1000x1xbf16> to vector<1000x1xf32>
      %sub3A_764 = arith.subf %get3A_9, %convert_element_type3A_763 : vector<1000x1xf32>
      %integer_pow3A_765 = arith.mulf %sub3A_764, %sub3A_764 : vector<1000x1xf32>
      %add3A_766 = arith.addf %integer_pow3A_761, %integer_pow3A_765 : vector<1000x1xf32>
      %slice3A_767 = vector.extract_strided_slice %get3A_756 {offsets = [0, 28], sizes = [1000, 1], strides = [1, 1]} : vector<1000x32xbf16> to vector<1000x1xbf16>
      %convert_element_type3A_768 = arith.extf %slice3A_767 : vector<1000x1xbf16> to vector<1000x1xf32>
      %sub3A_769 = arith.subf %get3A_12, %convert_element_type3A_768 : vector<1000x1xf32>
      %integer_pow3A_770 = arith.mulf %sub3A_769, %sub3A_769 : vector<1000x1xf32>
      %add3A_771 = arith.addf %add3A_766, %integer_pow3A_770 : vector<1000x1xf32>
      %add3A_772 = arith.constant 9.99999996E-13 : f32
      %add3A_773 = vector.broadcast %add3A_772 : f32 to vector<1000x1xf32>
      %add3A_774 = arith.addf %add3A_771, %add3A_773 : vector<1000x1xf32>
      %sqrt3A_775 = math.sqrt %add3A_774 : vector<1000x1xf32>
      %sub3A_776 = vector.broadcast %sqrt3A_775 : vector<1000x1xf32> to vector<1000x16xf32>
      %sub3A_777 = vector.broadcast %mul3A_4 : vector<1x16xf32> to vector<1000x16xf32>
      %sub3A_778 = arith.subf %sub3A_776, %sub3A_777 : vector<1000x16xf32>
      %integer_pow3A_779 = arith.mulf %sub3A_778, %sub3A_778 : vector<1000x16xf32>
      %mul3A_780 = arith.constant -2.812500e-01 : f32
      %mul3A_781 = vector.broadcast %mul3A_780 : f32 to vector<1000x16xf32>
      %mul3A_782 = arith.mulf %integer_pow3A_779, %mul3A_781 : vector<1000x16xf32>
      %exp3A_783 = math.exp %mul3A_782 : vector<1000x16xf32>
      %convert_element_type3A_784 = arith.truncf %exp3A_783 : vector<1000x16xf32> to vector<1000x16xbf16>
      %get3A_785 = arith.constant 0 : index
      %get3A_786 = arith.constant 0 : index
      %get3A_787 = vector.load %arg5[%get3A_785, %get3A_786] : memref<26x256xbf16, #tpu.memory_space<vmem>>, vector<26x256xbf16>
      %dot_general3A_788 = arith.constant dense<0.000000e+00> : vector<1000x256xf32>
      %dot_general3A_789 = tpu.matmul %slice3A_757, %get3A_787, %dot_general3A_788 {dimension_numbers = #tpu.dot_dimension_numbers<[1], [0], [0], [1], [0, 0, 1, 1], [], []>, transpose_lhs_hint = false} : vector<1000x26xbf16>, vector<26x256xbf16>, vector<1000x256xf32> -> vector<1000x256xf32>
      %get3A_790 = arith.constant 0 : index
      %get3A_791 = arith.constant 0 : index
      %get3A_792 = vector.load %arg6[%get3A_790, %get3A_791] : memref<16x256xbf16, #tpu.memory_space<vmem>>, vector<16x256xbf16>
      %dot_general3A_793 = arith.constant dense<0.000000e+00> : vector<1000x256xf32>
      %dot_general3A_794 = tpu.matmul %convert_element_type3A_784, %get3A_792, %dot_general3A_793 {dimension_numbers = #tpu.dot_dimension_numbers<[1], [0], [0], [1], [0, 0, 1, 1], [], []>, transpose_lhs_hint = false} : vector<1000x16xbf16>, vector<16x256xbf16>, vector<1000x256xf32> -> vector<1000x256xf32>
      %add3A_795 = arith.addf %dot_general3A_789, %dot_general3A_794 : vector<1000x256xf32>
      %add3A_796 = arith.addf %add3A_795, %add3A_54 : vector<1000x256xf32>
      %max3A_797 = arith.constant 0.000000e+00 : f32
      %max3A_798 = vector.broadcast %max3A_797 : f32 to vector<1000x256xf32>
      %max3A_799 = arith.maximumf %add3A_796, %max3A_798 : vector<1000x256xf32>
      %convert_element_type3A_800 = arith.truncf %max3A_799 : vector<1000x256xf32> to vector<1000x256xbf16>
      %get3A_801 = arith.constant 0 : index
      %get3A_802 = arith.constant 0 : index
      %get3A_803 = vector.load %arg10[%get3A_801, %get3A_802] : memref<256x256xbf16, #tpu.memory_space<vmem>>, vector<256x256xbf16>
      %dot_general3A_804 = arith.constant dense<0.000000e+00> : vector<1000x256xf32>
      %dot_general3A_805 = tpu.matmul %convert_element_type3A_800, %get3A_803, %dot_general3A_804 {dimension_numbers = #tpu.dot_dimension_numbers<[1], [0], [0], [1], [0, 0, 1, 1], [], []>, transpose_lhs_hint = false} : vector<1000x256xbf16>, vector<256x256xbf16>, vector<1000x256xf32> -> vector<1000x256xf32>
      %get3A_806 = arith.constant 0 : index
      %get3A_807 = arith.constant 0 : index
      %get3A_808 = vector.load %arg11[%get3A_806, %get3A_807] : memref<1x256xf32, #tpu.memory_space<vmem>>, vector<1x256xf32>
      %add3A_809 = vector.broadcast %get3A_808 : vector<1x256xf32> to vector<1000x256xf32>
      %add3A_810 = arith.addf %dot_general3A_805, %add3A_809 : vector<1000x256xf32>
      %max3A_811 = arith.constant 0.000000e+00 : f32
      %max3A_812 = vector.broadcast %max3A_811 : f32 to vector<1000x256xf32>
      %max3A_813 = arith.maximumf %add3A_810, %max3A_812 : vector<1000x256xf32>
      %convert_element_type3A_814 = arith.truncf %max3A_813 : vector<1000x256xf32> to vector<1000x256xbf16>
      %get3A_815 = arith.constant 0 : index
      %get3A_816 = arith.constant 0 : index
      %get3A_817 = vector.load %arg12[%get3A_815, %get3A_816] : memref<256x256xbf16, #tpu.memory_space<vmem>>, vector<256x256xbf16>
      %dot_general3A_818 = arith.constant dense<0.000000e+00> : vector<1000x256xf32>
      %dot_general3A_819 = tpu.matmul %convert_element_type3A_814, %get3A_817, %dot_general3A_818 {dimension_numbers = #tpu.dot_dimension_numbers<[1], [0], [0], [1], [0, 0, 1, 1], [], []>, transpose_lhs_hint = false} : vector<1000x256xbf16>, vector<256x256xbf16>, vector<1000x256xf32> -> vector<1000x256xf32>
      %get3A_820 = arith.constant 0 : index
      %get3A_821 = arith.constant 0 : index
      %get3A_822 = vector.load %arg13[%get3A_820, %get3A_821] : memref<1x256xf32, #tpu.memory_space<vmem>>, vector<1x256xf32>
      %add3A_823 = vector.broadcast %get3A_822 : vector<1x256xf32> to vector<1000x256xf32>
      %add3A_824 = arith.addf %dot_general3A_819, %add3A_823 : vector<1000x256xf32>
      %max3A_825 = arith.constant 0.000000e+00 : f32
      %max3A_826 = vector.broadcast %max3A_825 : f32 to vector<1000x256xf32>
      %max3A_827 = arith.maximumf %add3A_824, %max3A_826 : vector<1000x256xf32>
      %convert_element_type3A_828 = arith.truncf %max3A_827 : vector<1000x256xf32> to vector<1000x256xbf16>
      %get3A_829 = arith.constant 0 : index
      %get3A_830 = arith.constant 0 : index
      %get3A_831 = vector.load %arg14[%get3A_829, %get3A_830] : memref<256x129xbf16, #tpu.memory_space<vmem>>, vector<256x129xbf16>
      %dot_general3A_832 = arith.constant dense<0.000000e+00> : vector<1000x129xf32>
      %dot_general3A_833 = tpu.matmul %convert_element_type3A_828, %get3A_831, %dot_general3A_832 {dimension_numbers = #tpu.dot_dimension_numbers<[1], [0], [0], [1], [0, 0, 1, 1], [], []>, transpose_lhs_hint = false} : vector<1000x256xbf16>, vector<256x129xbf16>, vector<1000x129xf32> -> vector<1000x129xf32>
      %get3A_834 = arith.constant 0 : index
      %get3A_835 = arith.constant 0 : index
      %get3A_836 = vector.load %arg15[%get3A_834, %get3A_835] : memref<1x129xf32, #tpu.memory_space<vmem>>, vector<1x129xf32>
      %add3A_837 = vector.broadcast %get3A_836 : vector<1x129xf32> to vector<1000x129xf32>
      %add3A_838 = arith.addf %dot_general3A_833, %add3A_837 : vector<1000x129xf32>
      %slice3A_839 = vector.extract_strided_slice %add3A_838 {offsets = [0, 0], sizes = [1000, 128], strides = [1, 1]} : vector<1000x129xf32> to vector<1000x128xf32>
      %slice3A_840 = vector.extract_strided_slice %add3A_838 {offsets = [0, 128], sizes = [1000, 1], strides = [1, 1]} : vector<1000x129xf32> to vector<1000x1xf32>
      %mul3A_841 = vector.broadcast %slice3A_840 : vector<1000x1xf32> to vector<1000x128xf32>
      %mul3A_842 = arith.mulf %slice3A_839, %mul3A_841 : vector<1000x128xf32>
      %convert_element_type3A_843 = arith.truncf %mul3A_842 : vector<1000x128xf32> to vector<1000x128xbf16>
      %mul3A_844 = arith.constant 2 : i32
      %mul3A_845 = arith.muli %mul3A_844, %scan3A_749 : i32
      %add3A_846 = arith.constant 1 : i32
      %add3A_847 = arith.addi %mul3A_845, %add3A_846 : i32
      %get3A_848 = arith.index_cast %add3A_847 : i32 to index
      %get3A_849 = arith.constant 0 : index
      %get3A_850 = arith.constant 0 : index
      %get3A_851 = vector.load %arg1[%get3A_848, %get3A_849, %get3A_850] : memref<30x1000x32xbf16, #tpu.memory_space<vmem>>, vector<1x1000x32xbf16>
      %get3A_852 = vector.shape_cast %get3A_851 : vector<1x1000x32xbf16> to vector<1000x32xbf16>
      %slice3A_853 = vector.extract_strided_slice %get3A_852 {offsets = [0, 0], sizes = [1000, 26], strides = [1, 1]} : vector<1000x32xbf16> to vector<1000x26xbf16>
      %slice3A_854 = vector.extract_strided_slice %get3A_852 {offsets = [0, 26], sizes = [1000, 1], strides = [1, 1]} : vector<1000x32xbf16> to vector<1000x1xbf16>
      %convert_element_type3A_855 = arith.extf %slice3A_854 : vector<1000x1xbf16> to vector<1000x1xf32>
      %sub3A_856 = arith.subf %get3A_6, %convert_element_type3A_855 : vector<1000x1xf32>
      %integer_pow3A_857 = arith.mulf %sub3A_856, %sub3A_856 : vector<1000x1xf32>
      %slice3A_858 = vector.extract_strided_slice %get3A_852 {offsets = [0, 27], sizes = [1000, 1], strides = [1, 1]} : vector<1000x32xbf16> to vector<1000x1xbf16>
      %convert_element_type3A_859 = arith.extf %slice3A_858 : vector<1000x1xbf16> to vector<1000x1xf32>
      %sub3A_860 = arith.subf %get3A_9, %convert_element_type3A_859 : vector<1000x1xf32>
      %integer_pow3A_861 = arith.mulf %sub3A_860, %sub3A_860 : vector<1000x1xf32>
      %add3A_862 = arith.addf %integer_pow3A_857, %integer_pow3A_861 : vector<1000x1xf32>
      %slice3A_863 = vector.extract_strided_slice %get3A_852 {offsets = [0, 28], sizes = [1000, 1], strides = [1, 1]} : vector<1000x32xbf16> to vector<1000x1xbf16>
      %convert_element_type3A_864 = arith.extf %slice3A_863 : vector<1000x1xbf16> to vector<1000x1xf32>
      %sub3A_865 = arith.subf %get3A_12, %convert_element_type3A_864 : vector<1000x1xf32>
      %integer_pow3A_866 = arith.mulf %sub3A_865, %sub3A_865 : vector<1000x1xf32>
      %add3A_867 = arith.addf %add3A_862, %integer_pow3A_866 : vector<1000x1xf32>
      %add3A_868 = arith.constant 9.99999996E-13 : f32
      %add3A_869 = vector.broadcast %add3A_868 : f32 to vector<1000x1xf32>
      %add3A_870 = arith.addf %add3A_867, %add3A_869 : vector<1000x1xf32>
      %sqrt3A_871 = math.sqrt %add3A_870 : vector<1000x1xf32>
      %sub3A_872 = vector.broadcast %sqrt3A_871 : vector<1000x1xf32> to vector<1000x16xf32>
      %sub3A_873 = vector.broadcast %mul3A_4 : vector<1x16xf32> to vector<1000x16xf32>
      %sub3A_874 = arith.subf %sub3A_872, %sub3A_873 : vector<1000x16xf32>
      %integer_pow3A_875 = arith.mulf %sub3A_874, %sub3A_874 : vector<1000x16xf32>
      %mul3A_876 = arith.constant -2.812500e-01 : f32
      %mul3A_877 = vector.broadcast %mul3A_876 : f32 to vector<1000x16xf32>
      %mul3A_878 = arith.mulf %integer_pow3A_875, %mul3A_877 : vector<1000x16xf32>
      %exp3A_879 = math.exp %mul3A_878 : vector<1000x16xf32>
      %convert_element_type3A_880 = arith.truncf %exp3A_879 : vector<1000x16xf32> to vector<1000x16xbf16>
      %get3A_881 = arith.constant 0 : index
      %get3A_882 = arith.constant 0 : index
      %get3A_883 = vector.load %arg5[%get3A_881, %get3A_882] : memref<26x256xbf16, #tpu.memory_space<vmem>>, vector<26x256xbf16>
      %dot_general3A_884 = arith.constant dense<0.000000e+00> : vector<1000x256xf32>
      %dot_general3A_885 = tpu.matmul %slice3A_853, %get3A_883, %dot_general3A_884 {dimension_numbers = #tpu.dot_dimension_numbers<[1], [0], [0], [1], [0, 0, 1, 1], [], []>, transpose_lhs_hint = false} : vector<1000x26xbf16>, vector<26x256xbf16>, vector<1000x256xf32> -> vector<1000x256xf32>
      %get3A_886 = arith.constant 0 : index
      %get3A_887 = arith.constant 0 : index
      %get3A_888 = vector.load %arg6[%get3A_886, %get3A_887] : memref<16x256xbf16, #tpu.memory_space<vmem>>, vector<16x256xbf16>
      %dot_general3A_889 = arith.constant dense<0.000000e+00> : vector<1000x256xf32>
      %dot_general3A_890 = tpu.matmul %convert_element_type3A_880, %get3A_888, %dot_general3A_889 {dimension_numbers = #tpu.dot_dimension_numbers<[1], [0], [0], [1], [0, 0, 1, 1], [], []>, transpose_lhs_hint = false} : vector<1000x16xbf16>, vector<16x256xbf16>, vector<1000x256xf32> -> vector<1000x256xf32>
      %add3A_891 = arith.addf %dot_general3A_885, %dot_general3A_890 : vector<1000x256xf32>
      %add3A_892 = arith.addf %add3A_891, %add3A_54 : vector<1000x256xf32>
      %max3A_893 = arith.constant 0.000000e+00 : f32
      %max3A_894 = vector.broadcast %max3A_893 : f32 to vector<1000x256xf32>
      %max3A_895 = arith.maximumf %add3A_892, %max3A_894 : vector<1000x256xf32>
      %convert_element_type3A_896 = arith.truncf %max3A_895 : vector<1000x256xf32> to vector<1000x256xbf16>
      %get3A_897 = arith.constant 0 : index
      %get3A_898 = arith.constant 0 : index
      %get3A_899 = vector.load %arg10[%get3A_897, %get3A_898] : memref<256x256xbf16, #tpu.memory_space<vmem>>, vector<256x256xbf16>
      %dot_general3A_900 = arith.constant dense<0.000000e+00> : vector<1000x256xf32>
      %dot_general3A_901 = tpu.matmul %convert_element_type3A_896, %get3A_899, %dot_general3A_900 {dimension_numbers = #tpu.dot_dimension_numbers<[1], [0], [0], [1], [0, 0, 1, 1], [], []>, transpose_lhs_hint = false} : vector<1000x256xbf16>, vector<256x256xbf16>, vector<1000x256xf32> -> vector<1000x256xf32>
      %get3A_902 = arith.constant 0 : index
      %get3A_903 = arith.constant 0 : index
      %get3A_904 = vector.load %arg11[%get3A_902, %get3A_903] : memref<1x256xf32, #tpu.memory_space<vmem>>, vector<1x256xf32>
      %add3A_905 = vector.broadcast %get3A_904 : vector<1x256xf32> to vector<1000x256xf32>
      %add3A_906 = arith.addf %dot_general3A_901, %add3A_905 : vector<1000x256xf32>
      %max3A_907 = arith.constant 0.000000e+00 : f32
      %max3A_908 = vector.broadcast %max3A_907 : f32 to vector<1000x256xf32>
      %max3A_909 = arith.maximumf %add3A_906, %max3A_908 : vector<1000x256xf32>
      %convert_element_type3A_910 = arith.truncf %max3A_909 : vector<1000x256xf32> to vector<1000x256xbf16>
      %get3A_911 = arith.constant 0 : index
      %get3A_912 = arith.constant 0 : index
      %get3A_913 = vector.load %arg12[%get3A_911, %get3A_912] : memref<256x256xbf16, #tpu.memory_space<vmem>>, vector<256x256xbf16>
      %dot_general3A_914 = arith.constant dense<0.000000e+00> : vector<1000x256xf32>
      %dot_general3A_915 = tpu.matmul %convert_element_type3A_910, %get3A_913, %dot_general3A_914 {dimension_numbers = #tpu.dot_dimension_numbers<[1], [0], [0], [1], [0, 0, 1, 1], [], []>, transpose_lhs_hint = false} : vector<1000x256xbf16>, vector<256x256xbf16>, vector<1000x256xf32> -> vector<1000x256xf32>
      %get3A_916 = arith.constant 0 : index
      %get3A_917 = arith.constant 0 : index
      %get3A_918 = vector.load %arg13[%get3A_916, %get3A_917] : memref<1x256xf32, #tpu.memory_space<vmem>>, vector<1x256xf32>
      %add3A_919 = vector.broadcast %get3A_918 : vector<1x256xf32> to vector<1000x256xf32>
      %add3A_920 = arith.addf %dot_general3A_915, %add3A_919 : vector<1000x256xf32>
      %max3A_921 = arith.constant 0.000000e+00 : f32
      %max3A_922 = vector.broadcast %max3A_921 : f32 to vector<1000x256xf32>
      %max3A_923 = arith.maximumf %add3A_920, %max3A_922 : vector<1000x256xf32>
      %convert_element_type3A_924 = arith.truncf %max3A_923 : vector<1000x256xf32> to vector<1000x256xbf16>
      %get3A_925 = arith.constant 0 : index
      %get3A_926 = arith.constant 0 : index
      %get3A_927 = vector.load %arg14[%get3A_925, %get3A_926] : memref<256x129xbf16, #tpu.memory_space<vmem>>, vector<256x129xbf16>
      %dot_general3A_928 = arith.constant dense<0.000000e+00> : vector<1000x129xf32>
      %dot_general3A_929 = tpu.matmul %convert_element_type3A_924, %get3A_927, %dot_general3A_928 {dimension_numbers = #tpu.dot_dimension_numbers<[1], [0], [0], [1], [0, 0, 1, 1], [], []>, transpose_lhs_hint = false} : vector<1000x256xbf16>, vector<256x129xbf16>, vector<1000x129xf32> -> vector<1000x129xf32>
      %get3A_930 = arith.constant 0 : index
      %get3A_931 = arith.constant 0 : index
      %get3A_932 = vector.load %arg15[%get3A_930, %get3A_931] : memref<1x129xf32, #tpu.memory_space<vmem>>, vector<1x129xf32>
      %add3A_933 = vector.broadcast %get3A_932 : vector<1x129xf32> to vector<1000x129xf32>
      %add3A_934 = arith.addf %dot_general3A_929, %add3A_933 : vector<1000x129xf32>
      %slice3A_935 = vector.extract_strided_slice %add3A_934 {offsets = [0, 0], sizes = [1000, 128], strides = [1, 1]} : vector<1000x129xf32> to vector<1000x128xf32>
      %slice3A_936 = vector.extract_strided_slice %add3A_934 {offsets = [0, 128], sizes = [1000, 1], strides = [1, 1]} : vector<1000x129xf32> to vector<1000x1xf32>
      %mul3A_937 = vector.broadcast %slice3A_936 : vector<1000x1xf32> to vector<1000x128xf32>
      %mul3A_938 = arith.mulf %slice3A_935, %mul3A_937 : vector<1000x128xf32>
      %convert_element_type3A_939 = arith.truncf %mul3A_938 : vector<1000x128xf32> to vector<1000x128xbf16>
      %concatenate3A_940 = tpu.concatenate %convert_element_type3A_843, %convert_element_type3A_939 in 1 : vector<1000x128xbf16>, vector<1000x128xbf16> -> vector<1000x256xbf16>
      %get3A_941 = arith.index_cast %scan3A_749 : i32 to index
      %get3A_942 = arith.constant 0 : index
      %get3A_943 = arith.constant 0 : index
      %get3A_944 = vector.load %arg16[%get3A_941, %get3A_942, %get3A_943] : memref<15x256x300xbf16, #tpu.memory_space<vmem>>, vector<1x256x300xbf16>
      %get3A_945 = vector.shape_cast %get3A_944 : vector<1x256x300xbf16> to vector<256x300xbf16>
      %dot_general3A_946 = arith.constant dense<0.000000e+00> : vector<1000x300xf32>
      %dot_general3A_947 = tpu.matmul %concatenate3A_940, %get3A_945, %dot_general3A_946 {dimension_numbers = #tpu.dot_dimension_numbers<[1], [0], [0], [1], [0, 0, 1, 1], [], []>, transpose_lhs_hint = false} : vector<1000x256xbf16>, vector<256x300xbf16>, vector<1000x300xf32> -> vector<1000x300xf32>
      %add3A_948 = arith.addf %add3A_747, %dot_general3A_947 : vector<1000x300xf32>
      %scan3A_949 = arith.constant 4 : i32
      %scan3A_950 = arith.addi %scan3A_145, %scan3A_949 : i32
      %mul3A_951 = arith.constant 2 : i32
      %mul3A_952 = arith.muli %mul3A_951, %scan3A_950 : i32
      %get3A_953 = arith.index_cast %mul3A_952 : i32 to index
      %get3A_954 = arith.constant 0 : index
      %get3A_955 = arith.constant 0 : index
      %get3A_956 = vector.load %arg1[%get3A_953, %get3A_954, %get3A_955] : memref<30x1000x32xbf16, #tpu.memory_space<vmem>>, vector<1x1000x32xbf16>
      %get3A_957 = vector.shape_cast %get3A_956 : vector<1x1000x32xbf16> to vector<1000x32xbf16>
      %slice3A_958 = vector.extract_strided_slice %get3A_957 {offsets = [0, 0], sizes = [1000, 26], strides = [1, 1]} : vector<1000x32xbf16> to vector<1000x26xbf16>
      %slice3A_959 = vector.extract_strided_slice %get3A_957 {offsets = [0, 26], sizes = [1000, 1], strides = [1, 1]} : vector<1000x32xbf16> to vector<1000x1xbf16>
      %convert_element_type3A_960 = arith.extf %slice3A_959 : vector<1000x1xbf16> to vector<1000x1xf32>
      %sub3A_961 = arith.subf %get3A_6, %convert_element_type3A_960 : vector<1000x1xf32>
      %integer_pow3A_962 = arith.mulf %sub3A_961, %sub3A_961 : vector<1000x1xf32>
      %slice3A_963 = vector.extract_strided_slice %get3A_957 {offsets = [0, 27], sizes = [1000, 1], strides = [1, 1]} : vector<1000x32xbf16> to vector<1000x1xbf16>
      %convert_element_type3A_964 = arith.extf %slice3A_963 : vector<1000x1xbf16> to vector<1000x1xf32>
      %sub3A_965 = arith.subf %get3A_9, %convert_element_type3A_964 : vector<1000x1xf32>
      %integer_pow3A_966 = arith.mulf %sub3A_965, %sub3A_965 : vector<1000x1xf32>
      %add3A_967 = arith.addf %integer_pow3A_962, %integer_pow3A_966 : vector<1000x1xf32>
      %slice3A_968 = vector.extract_strided_slice %get3A_957 {offsets = [0, 28], sizes = [1000, 1], strides = [1, 1]} : vector<1000x32xbf16> to vector<1000x1xbf16>
      %convert_element_type3A_969 = arith.extf %slice3A_968 : vector<1000x1xbf16> to vector<1000x1xf32>
      %sub3A_970 = arith.subf %get3A_12, %convert_element_type3A_969 : vector<1000x1xf32>
      %integer_pow3A_971 = arith.mulf %sub3A_970, %sub3A_970 : vector<1000x1xf32>
      %add3A_972 = arith.addf %add3A_967, %integer_pow3A_971 : vector<1000x1xf32>
      %add3A_973 = arith.constant 9.99999996E-13 : f32
      %add3A_974 = vector.broadcast %add3A_973 : f32 to vector<1000x1xf32>
      %add3A_975 = arith.addf %add3A_972, %add3A_974 : vector<1000x1xf32>
      %sqrt3A_976 = math.sqrt %add3A_975 : vector<1000x1xf32>
      %sub3A_977 = vector.broadcast %sqrt3A_976 : vector<1000x1xf32> to vector<1000x16xf32>
      %sub3A_978 = vector.broadcast %mul3A_4 : vector<1x16xf32> to vector<1000x16xf32>
      %sub3A_979 = arith.subf %sub3A_977, %sub3A_978 : vector<1000x16xf32>
      %integer_pow3A_980 = arith.mulf %sub3A_979, %sub3A_979 : vector<1000x16xf32>
      %mul3A_981 = arith.constant -2.812500e-01 : f32
      %mul3A_982 = vector.broadcast %mul3A_981 : f32 to vector<1000x16xf32>
      %mul3A_983 = arith.mulf %integer_pow3A_980, %mul3A_982 : vector<1000x16xf32>
      %exp3A_984 = math.exp %mul3A_983 : vector<1000x16xf32>
      %convert_element_type3A_985 = arith.truncf %exp3A_984 : vector<1000x16xf32> to vector<1000x16xbf16>
      %get3A_986 = arith.constant 0 : index
      %get3A_987 = arith.constant 0 : index
      %get3A_988 = vector.load %arg5[%get3A_986, %get3A_987] : memref<26x256xbf16, #tpu.memory_space<vmem>>, vector<26x256xbf16>
      %dot_general3A_989 = arith.constant dense<0.000000e+00> : vector<1000x256xf32>
      %dot_general3A_990 = tpu.matmul %slice3A_958, %get3A_988, %dot_general3A_989 {dimension_numbers = #tpu.dot_dimension_numbers<[1], [0], [0], [1], [0, 0, 1, 1], [], []>, transpose_lhs_hint = false} : vector<1000x26xbf16>, vector<26x256xbf16>, vector<1000x256xf32> -> vector<1000x256xf32>
      %get3A_991 = arith.constant 0 : index
      %get3A_992 = arith.constant 0 : index
      %get3A_993 = vector.load %arg6[%get3A_991, %get3A_992] : memref<16x256xbf16, #tpu.memory_space<vmem>>, vector<16x256xbf16>
      %dot_general3A_994 = arith.constant dense<0.000000e+00> : vector<1000x256xf32>
      %dot_general3A_995 = tpu.matmul %convert_element_type3A_985, %get3A_993, %dot_general3A_994 {dimension_numbers = #tpu.dot_dimension_numbers<[1], [0], [0], [1], [0, 0, 1, 1], [], []>, transpose_lhs_hint = false} : vector<1000x16xbf16>, vector<16x256xbf16>, vector<1000x256xf32> -> vector<1000x256xf32>
      %add3A_996 = arith.addf %dot_general3A_990, %dot_general3A_995 : vector<1000x256xf32>
      %add3A_997 = arith.addf %add3A_996, %add3A_54 : vector<1000x256xf32>
      %max3A_998 = arith.constant 0.000000e+00 : f32
      %max3A_999 = vector.broadcast %max3A_998 : f32 to vector<1000x256xf32>
      %max3A_1000 = arith.maximumf %add3A_997, %max3A_999 : vector<1000x256xf32>
      %convert_element_type3A_1001 = arith.truncf %max3A_1000 : vector<1000x256xf32> to vector<1000x256xbf16>
      %get3A_1002 = arith.constant 0 : index
      %get3A_1003 = arith.constant 0 : index
      %get3A_1004 = vector.load %arg10[%get3A_1002, %get3A_1003] : memref<256x256xbf16, #tpu.memory_space<vmem>>, vector<256x256xbf16>
      %dot_general3A_1005 = arith.constant dense<0.000000e+00> : vector<1000x256xf32>
      %dot_general3A_1006 = tpu.matmul %convert_element_type3A_1001, %get3A_1004, %dot_general3A_1005 {dimension_numbers = #tpu.dot_dimension_numbers<[1], [0], [0], [1], [0, 0, 1, 1], [], []>, transpose_lhs_hint = false} : vector<1000x256xbf16>, vector<256x256xbf16>, vector<1000x256xf32> -> vector<1000x256xf32>
      %get3A_1007 = arith.constant 0 : index
      %get3A_1008 = arith.constant 0 : index
      %get3A_1009 = vector.load %arg11[%get3A_1007, %get3A_1008] : memref<1x256xf32, #tpu.memory_space<vmem>>, vector<1x256xf32>
      %add3A_1010 = vector.broadcast %get3A_1009 : vector<1x256xf32> to vector<1000x256xf32>
      %add3A_1011 = arith.addf %dot_general3A_1006, %add3A_1010 : vector<1000x256xf32>
      %max3A_1012 = arith.constant 0.000000e+00 : f32
      %max3A_1013 = vector.broadcast %max3A_1012 : f32 to vector<1000x256xf32>
      %max3A_1014 = arith.maximumf %add3A_1011, %max3A_1013 : vector<1000x256xf32>
      %convert_element_type3A_1015 = arith.truncf %max3A_1014 : vector<1000x256xf32> to vector<1000x256xbf16>
      %get3A_1016 = arith.constant 0 : index
      %get3A_1017 = arith.constant 0 : index
      %get3A_1018 = vector.load %arg12[%get3A_1016, %get3A_1017] : memref<256x256xbf16, #tpu.memory_space<vmem>>, vector<256x256xbf16>
      %dot_general3A_1019 = arith.constant dense<0.000000e+00> : vector<1000x256xf32>
      %dot_general3A_1020 = tpu.matmul %convert_element_type3A_1015, %get3A_1018, %dot_general3A_1019 {dimension_numbers = #tpu.dot_dimension_numbers<[1], [0], [0], [1], [0, 0, 1, 1], [], []>, transpose_lhs_hint = false} : vector<1000x256xbf16>, vector<256x256xbf16>, vector<1000x256xf32> -> vector<1000x256xf32>
      %get3A_1021 = arith.constant 0 : index
      %get3A_1022 = arith.constant 0 : index
      %get3A_1023 = vector.load %arg13[%get3A_1021, %get3A_1022] : memref<1x256xf32, #tpu.memory_space<vmem>>, vector<1x256xf32>
      %add3A_1024 = vector.broadcast %get3A_1023 : vector<1x256xf32> to vector<1000x256xf32>
      %add3A_1025 = arith.addf %dot_general3A_1020, %add3A_1024 : vector<1000x256xf32>
      %max3A_1026 = arith.constant 0.000000e+00 : f32
      %max3A_1027 = vector.broadcast %max3A_1026 : f32 to vector<1000x256xf32>
      %max3A_1028 = arith.maximumf %add3A_1025, %max3A_1027 : vector<1000x256xf32>
      %convert_element_type3A_1029 = arith.truncf %max3A_1028 : vector<1000x256xf32> to vector<1000x256xbf16>
      %get3A_1030 = arith.constant 0 : index
      %get3A_1031 = arith.constant 0 : index
      %get3A_1032 = vector.load %arg14[%get3A_1030, %get3A_1031] : memref<256x129xbf16, #tpu.memory_space<vmem>>, vector<256x129xbf16>
      %dot_general3A_1033 = arith.constant dense<0.000000e+00> : vector<1000x129xf32>
      %dot_general3A_1034 = tpu.matmul %convert_element_type3A_1029, %get3A_1032, %dot_general3A_1033 {dimension_numbers = #tpu.dot_dimension_numbers<[1], [0], [0], [1], [0, 0, 1, 1], [], []>, transpose_lhs_hint = false} : vector<1000x256xbf16>, vector<256x129xbf16>, vector<1000x129xf32> -> vector<1000x129xf32>
      %get3A_1035 = arith.constant 0 : index
      %get3A_1036 = arith.constant 0 : index
      %get3A_1037 = vector.load %arg15[%get3A_1035, %get3A_1036] : memref<1x129xf32, #tpu.memory_space<vmem>>, vector<1x129xf32>
      %add3A_1038 = vector.broadcast %get3A_1037 : vector<1x129xf32> to vector<1000x129xf32>
      %add3A_1039 = arith.addf %dot_general3A_1034, %add3A_1038 : vector<1000x129xf32>
      %slice3A_1040 = vector.extract_strided_slice %add3A_1039 {offsets = [0, 0], sizes = [1000, 128], strides = [1, 1]} : vector<1000x129xf32> to vector<1000x128xf32>
      %slice3A_1041 = vector.extract_strided_slice %add3A_1039 {offsets = [0, 128], sizes = [1000, 1], strides = [1, 1]} : vector<1000x129xf32> to vector<1000x1xf32>
      %mul3A_1042 = vector.broadcast %slice3A_1041 : vector<1000x1xf32> to vector<1000x128xf32>
      %mul3A_1043 = arith.mulf %slice3A_1040, %mul3A_1042 : vector<1000x128xf32>
      %convert_element_type3A_1044 = arith.truncf %mul3A_1043 : vector<1000x128xf32> to vector<1000x128xbf16>
      %mul3A_1045 = arith.constant 2 : i32
      %mul3A_1046 = arith.muli %mul3A_1045, %scan3A_950 : i32
      %add3A_1047 = arith.constant 1 : i32
      %add3A_1048 = arith.addi %mul3A_1046, %add3A_1047 : i32
      %get3A_1049 = arith.index_cast %add3A_1048 : i32 to index
      %get3A_1050 = arith.constant 0 : index
      %get3A_1051 = arith.constant 0 : index
      %get3A_1052 = vector.load %arg1[%get3A_1049, %get3A_1050, %get3A_1051] : memref<30x1000x32xbf16, #tpu.memory_space<vmem>>, vector<1x1000x32xbf16>
      %get3A_1053 = vector.shape_cast %get3A_1052 : vector<1x1000x32xbf16> to vector<1000x32xbf16>
      %slice3A_1054 = vector.extract_strided_slice %get3A_1053 {offsets = [0, 0], sizes = [1000, 26], strides = [1, 1]} : vector<1000x32xbf16> to vector<1000x26xbf16>
      %slice3A_1055 = vector.extract_strided_slice %get3A_1053 {offsets = [0, 26], sizes = [1000, 1], strides = [1, 1]} : vector<1000x32xbf16> to vector<1000x1xbf16>
      %convert_element_type3A_1056 = arith.extf %slice3A_1055 : vector<1000x1xbf16> to vector<1000x1xf32>
      %sub3A_1057 = arith.subf %get3A_6, %convert_element_type3A_1056 : vector<1000x1xf32>
      %integer_pow3A_1058 = arith.mulf %sub3A_1057, %sub3A_1057 : vector<1000x1xf32>
      %slice3A_1059 = vector.extract_strided_slice %get3A_1053 {offsets = [0, 27], sizes = [1000, 1], strides = [1, 1]} : vector<1000x32xbf16> to vector<1000x1xbf16>
      %convert_element_type3A_1060 = arith.extf %slice3A_1059 : vector<1000x1xbf16> to vector<1000x1xf32>
      %sub3A_1061 = arith.subf %get3A_9, %convert_element_type3A_1060 : vector<1000x1xf32>
      %integer_pow3A_1062 = arith.mulf %sub3A_1061, %sub3A_1061 : vector<1000x1xf32>
      %add3A_1063 = arith.addf %integer_pow3A_1058, %integer_pow3A_1062 : vector<1000x1xf32>
      %slice3A_1064 = vector.extract_strided_slice %get3A_1053 {offsets = [0, 28], sizes = [1000, 1], strides = [1, 1]} : vector<1000x32xbf16> to vector<1000x1xbf16>
      %convert_element_type3A_1065 = arith.extf %slice3A_1064 : vector<1000x1xbf16> to vector<1000x1xf32>
      %sub3A_1066 = arith.subf %get3A_12, %convert_element_type3A_1065 : vector<1000x1xf32>
      %integer_pow3A_1067 = arith.mulf %sub3A_1066, %sub3A_1066 : vector<1000x1xf32>
      %add3A_1068 = arith.addf %add3A_1063, %integer_pow3A_1067 : vector<1000x1xf32>
      %add3A_1069 = arith.constant 9.99999996E-13 : f32
      %add3A_1070 = vector.broadcast %add3A_1069 : f32 to vector<1000x1xf32>
      %add3A_1071 = arith.addf %add3A_1068, %add3A_1070 : vector<1000x1xf32>
      %sqrt3A_1072 = math.sqrt %add3A_1071 : vector<1000x1xf32>
      %sub3A_1073 = vector.broadcast %sqrt3A_1072 : vector<1000x1xf32> to vector<1000x16xf32>
      %sub3A_1074 = vector.broadcast %mul3A_4 : vector<1x16xf32> to vector<1000x16xf32>
      %sub3A_1075 = arith.subf %sub3A_1073, %sub3A_1074 : vector<1000x16xf32>
      %integer_pow3A_1076 = arith.mulf %sub3A_1075, %sub3A_1075 : vector<1000x16xf32>
      %mul3A_1077 = arith.constant -2.812500e-01 : f32
      %mul3A_1078 = vector.broadcast %mul3A_1077 : f32 to vector<1000x16xf32>
      %mul3A_1079 = arith.mulf %integer_pow3A_1076, %mul3A_1078 : vector<1000x16xf32>
      %exp3A_1080 = math.exp %mul3A_1079 : vector<1000x16xf32>
      %convert_element_type3A_1081 = arith.truncf %exp3A_1080 : vector<1000x16xf32> to vector<1000x16xbf16>
      %get3A_1082 = arith.constant 0 : index
      %get3A_1083 = arith.constant 0 : index
      %get3A_1084 = vector.load %arg5[%get3A_1082, %get3A_1083] : memref<26x256xbf16, #tpu.memory_space<vmem>>, vector<26x256xbf16>
      %dot_general3A_1085 = arith.constant dense<0.000000e+00> : vector<1000x256xf32>
      %dot_general3A_1086 = tpu.matmul %slice3A_1054, %get3A_1084, %dot_general3A_1085 {dimension_numbers = #tpu.dot_dimension_numbers<[1], [0], [0], [1], [0, 0, 1, 1], [], []>, transpose_lhs_hint = false} : vector<1000x26xbf16>, vector<26x256xbf16>, vector<1000x256xf32> -> vector<1000x256xf32>
      %get3A_1087 = arith.constant 0 : index
      %get3A_1088 = arith.constant 0 : index
      %get3A_1089 = vector.load %arg6[%get3A_1087, %get3A_1088] : memref<16x256xbf16, #tpu.memory_space<vmem>>, vector<16x256xbf16>
      %dot_general3A_1090 = arith.constant dense<0.000000e+00> : vector<1000x256xf32>
      %dot_general3A_1091 = tpu.matmul %convert_element_type3A_1081, %get3A_1089, %dot_general3A_1090 {dimension_numbers = #tpu.dot_dimension_numbers<[1], [0], [0], [1], [0, 0, 1, 1], [], []>, transpose_lhs_hint = false} : vector<1000x16xbf16>, vector<16x256xbf16>, vector<1000x256xf32> -> vector<1000x256xf32>
      %add3A_1092 = arith.addf %dot_general3A_1086, %dot_general3A_1091 : vector<1000x256xf32>
      %add3A_1093 = arith.addf %add3A_1092, %add3A_54 : vector<1000x256xf32>
      %max3A_1094 = arith.constant 0.000000e+00 : f32
      %max3A_1095 = vector.broadcast %max3A_1094 : f32 to vector<1000x256xf32>
      %max3A_1096 = arith.maximumf %add3A_1093, %max3A_1095 : vector<1000x256xf32>
      %convert_element_type3A_1097 = arith.truncf %max3A_1096 : vector<1000x256xf32> to vector<1000x256xbf16>
      %get3A_1098 = arith.constant 0 : index
      %get3A_1099 = arith.constant 0 : index
      %get3A_1100 = vector.load %arg10[%get3A_1098, %get3A_1099] : memref<256x256xbf16, #tpu.memory_space<vmem>>, vector<256x256xbf16>
      %dot_general3A_1101 = arith.constant dense<0.000000e+00> : vector<1000x256xf32>
      %dot_general3A_1102 = tpu.matmul %convert_element_type3A_1097, %get3A_1100, %dot_general3A_1101 {dimension_numbers = #tpu.dot_dimension_numbers<[1], [0], [0], [1], [0, 0, 1, 1], [], []>, transpose_lhs_hint = false} : vector<1000x256xbf16>, vector<256x256xbf16>, vector<1000x256xf32> -> vector<1000x256xf32>
      %get3A_1103 = arith.constant 0 : index
      %get3A_1104 = arith.constant 0 : index
      %get3A_1105 = vector.load %arg11[%get3A_1103, %get3A_1104] : memref<1x256xf32, #tpu.memory_space<vmem>>, vector<1x256xf32>
      %add3A_1106 = vector.broadcast %get3A_1105 : vector<1x256xf32> to vector<1000x256xf32>
      %add3A_1107 = arith.addf %dot_general3A_1102, %add3A_1106 : vector<1000x256xf32>
      %max3A_1108 = arith.constant 0.000000e+00 : f32
      %max3A_1109 = vector.broadcast %max3A_1108 : f32 to vector<1000x256xf32>
      %max3A_1110 = arith.maximumf %add3A_1107, %max3A_1109 : vector<1000x256xf32>
      %convert_element_type3A_1111 = arith.truncf %max3A_1110 : vector<1000x256xf32> to vector<1000x256xbf16>
      %get3A_1112 = arith.constant 0 : index
      %get3A_1113 = arith.constant 0 : index
      %get3A_1114 = vector.load %arg12[%get3A_1112, %get3A_1113] : memref<256x256xbf16, #tpu.memory_space<vmem>>, vector<256x256xbf16>
      %dot_general3A_1115 = arith.constant dense<0.000000e+00> : vector<1000x256xf32>
      %dot_general3A_1116 = tpu.matmul %convert_element_type3A_1111, %get3A_1114, %dot_general3A_1115 {dimension_numbers = #tpu.dot_dimension_numbers<[1], [0], [0], [1], [0, 0, 1, 1], [], []>, transpose_lhs_hint = false} : vector<1000x256xbf16>, vector<256x256xbf16>, vector<1000x256xf32> -> vector<1000x256xf32>
      %get3A_1117 = arith.constant 0 : index
      %get3A_1118 = arith.constant 0 : index
      %get3A_1119 = vector.load %arg13[%get3A_1117, %get3A_1118] : memref<1x256xf32, #tpu.memory_space<vmem>>, vector<1x256xf32>
      %add3A_1120 = vector.broadcast %get3A_1119 : vector<1x256xf32> to vector<1000x256xf32>
      %add3A_1121 = arith.addf %dot_general3A_1116, %add3A_1120 : vector<1000x256xf32>
      %max3A_1122 = arith.constant 0.000000e+00 : f32
      %max3A_1123 = vector.broadcast %max3A_1122 : f32 to vector<1000x256xf32>
      %max3A_1124 = arith.maximumf %add3A_1121, %max3A_1123 : vector<1000x256xf32>
      %convert_element_type3A_1125 = arith.truncf %max3A_1124 : vector<1000x256xf32> to vector<1000x256xbf16>
      %get3A_1126 = arith.constant 0 : index
      %get3A_1127 = arith.constant 0 : index
      %get3A_1128 = vector.load %arg14[%get3A_1126, %get3A_1127] : memref<256x129xbf16, #tpu.memory_space<vmem>>, vector<256x129xbf16>
      %dot_general3A_1129 = arith.constant dense<0.000000e+00> : vector<1000x129xf32>
      %dot_general3A_1130 = tpu.matmul %convert_element_type3A_1125, %get3A_1128, %dot_general3A_1129 {dimension_numbers = #tpu.dot_dimension_numbers<[1], [0], [0], [1], [0, 0, 1, 1], [], []>, transpose_lhs_hint = false} : vector<1000x256xbf16>, vector<256x129xbf16>, vector<1000x129xf32> -> vector<1000x129xf32>
      %get3A_1131 = arith.constant 0 : index
      %get3A_1132 = arith.constant 0 : index
      %get3A_1133 = vector.load %arg15[%get3A_1131, %get3A_1132] : memref<1x129xf32, #tpu.memory_space<vmem>>, vector<1x129xf32>
      %add3A_1134 = vector.broadcast %get3A_1133 : vector<1x129xf32> to vector<1000x129xf32>
      %add3A_1135 = arith.addf %dot_general3A_1130, %add3A_1134 : vector<1000x129xf32>
      %slice3A_1136 = vector.extract_strided_slice %add3A_1135 {offsets = [0, 0], sizes = [1000, 128], strides = [1, 1]} : vector<1000x129xf32> to vector<1000x128xf32>
      %slice3A_1137 = vector.extract_strided_slice %add3A_1135 {offsets = [0, 128], sizes = [1000, 1], strides = [1, 1]} : vector<1000x129xf32> to vector<1000x1xf32>
      %mul3A_1138 = vector.broadcast %slice3A_1137 : vector<1000x1xf32> to vector<1000x128xf32>
      %mul3A_1139 = arith.mulf %slice3A_1136, %mul3A_1138 : vector<1000x128xf32>
      %convert_element_type3A_1140 = arith.truncf %mul3A_1139 : vector<1000x128xf32> to vector<1000x128xbf16>
      %concatenate3A_1141 = tpu.concatenate %convert_element_type3A_1044, %convert_element_type3A_1140 in 1 : vector<1000x128xbf16>, vector<1000x128xbf16> -> vector<1000x256xbf16>
      %get3A_1142 = arith.index_cast %scan3A_950 : i32 to index
      %get3A_1143 = arith.constant 0 : index
      %get3A_1144 = arith.constant 0 : index
      %get3A_1145 = vector.load %arg16[%get3A_1142, %get3A_1143, %get3A_1144] : memref<15x256x300xbf16, #tpu.memory_space<vmem>>, vector<1x256x300xbf16>
      %get3A_1146 = vector.shape_cast %get3A_1145 : vector<1x256x300xbf16> to vector<256x300xbf16>
      %dot_general3A_1147 = arith.constant dense<0.000000e+00> : vector<1000x300xf32>
      %dot_general3A_1148 = tpu.matmul %concatenate3A_1141, %get3A_1146, %dot_general3A_1147 {dimension_numbers = #tpu.dot_dimension_numbers<[1], [0], [0], [1], [0, 0, 1, 1], [], []>, transpose_lhs_hint = false} : vector<1000x256xbf16>, vector<256x300xbf16>, vector<1000x300xf32> -> vector<1000x300xf32>
      %add3A_1149 = arith.addf %add3A_948, %dot_general3A_1148 : vector<1000x300xf32>
      scf.yield %add3A_1149 : vector<1000x300xf32>
    }
    %scan3A_60 = arith.constant 15 : i32
    %get3A_61 = arith.constant 0 : index
    %get3A_62 = arith.constant 0 : index
    %get3A_63 = vector.load %arg17[%get3A_61, %get3A_62] : memref<1x300xf32, #tpu.memory_space<vmem>>, vector<1x300xf32>
    %add3A_64 = vector.broadcast %get3A_63 : vector<1x300xf32> to vector<1000x300xf32>
    %add3A_65 = arith.addf %scan3A_59, %add3A_64 : vector<1000x300xf32>
    %max3A = arith.constant 0.000000e+00 : f32
    %max3A_66 = vector.broadcast %max3A : f32 to vector<1000x300xf32>
    %max3A_67 = arith.maximumf %add3A_65, %max3A_66 : vector<1000x300xf32>
    %get3A_68 = arith.constant 0 : index
    %get3A_69 = arith.constant 0 : index
    %get3A_70 = vector.load %arg18[%get3A_68, %get3A_69] : memref<300x128xf32, #tpu.memory_space<vmem>>, vector<300x128xf32>
    %dot_general3A_71 = arith.constant dense<0.000000e+00> : vector<1000x128xf32>
    %dot_general3A_72 = tpu.matmul %max3A_67, %get3A_70, %dot_general3A_71 {dimension_numbers = #tpu.dot_dimension_numbers<[1], [0], [0], [1], [0, 0, 1, 1], [], []>, transpose_lhs_hint = false} : vector<1000x300xf32>, vector<300x128xf32>, vector<1000x128xf32> -> vector<1000x128xf32>
    %get3A_73 = arith.constant 0 : index
    %get3A_74 = arith.constant 0 : index
    %get3A_75 = vector.load %arg19[%get3A_73, %get3A_74] : memref<1x128xf32, #tpu.memory_space<vmem>>, vector<1x128xf32>
    %add3A_76 = vector.broadcast %get3A_75 : vector<1x128xf32> to vector<1000x128xf32>
    %add3A_77 = arith.addf %dot_general3A_72, %add3A_76 : vector<1000x128xf32>
    %max3A_78 = arith.constant 0.000000e+00 : f32
    %max3A_79 = vector.broadcast %max3A_78 : f32 to vector<1000x128xf32>
    %max3A_80 = arith.maximumf %add3A_77, %max3A_79 : vector<1000x128xf32>
    %get3A_81 = arith.constant 0 : index
    %get3A_82 = arith.constant 0 : index
    %get3A_83 = vector.load %arg20[%get3A_81, %get3A_82] : memref<128x128xf32, #tpu.memory_space<vmem>>, vector<128x128xf32>
    %dot_general3A_84 = arith.constant dense<0.000000e+00> : vector<1000x128xf32>
    %dot_general3A_85 = tpu.matmul %max3A_80, %get3A_83, %dot_general3A_84 {dimension_numbers = #tpu.dot_dimension_numbers<[1], [0], [0], [1], [0, 0, 1, 1], [], []>, transpose_lhs_hint = false} : vector<1000x128xf32>, vector<128x128xf32>, vector<1000x128xf32> -> vector<1000x128xf32>
    %get3A_86 = arith.constant 0 : index
    %get3A_87 = arith.constant 0 : index
    %get3A_88 = vector.load %arg21[%get3A_86, %get3A_87] : memref<1x128xf32, #tpu.memory_space<vmem>>, vector<1x128xf32>
    %add3A_89 = vector.broadcast %get3A_88 : vector<1x128xf32> to vector<1000x128xf32>
    %add3A_90 = arith.addf %dot_general3A_85, %add3A_89 : vector<1000x128xf32>
    %max3A_91 = arith.constant 0.000000e+00 : f32
    %max3A_92 = vector.broadcast %max3A_91 : f32 to vector<1000x128xf32>
    %max3A_93 = arith.maximumf %add3A_90, %max3A_92 : vector<1000x128xf32>
    %get3A_94 = arith.constant 0 : index
    %get3A_95 = arith.constant 0 : index
    %get3A_96 = vector.load %arg22[%get3A_94, %get3A_95] : memref<128x20xf32, #tpu.memory_space<vmem>>, vector<128x20xf32>
    %dot_general3A_97 = arith.constant dense<0.000000e+00> : vector<1000x20xf32>
    %dot_general3A_98 = tpu.matmul %max3A_93, %get3A_96, %dot_general3A_97 {dimension_numbers = #tpu.dot_dimension_numbers<[1], [0], [0], [1], [0, 0, 1, 1], [], []>, transpose_lhs_hint = false} : vector<1000x128xf32>, vector<128x20xf32>, vector<1000x20xf32> -> vector<1000x20xf32>
    %get3A_99 = arith.constant 0 : index
    %get3A_100 = arith.constant 0 : index
    %get3A_101 = vector.load %arg23[%get3A_99, %get3A_100] : memref<1x20xf32, #tpu.memory_space<vmem>>, vector<1x20xf32>
    %add3A_102 = vector.broadcast %get3A_101 : vector<1x20xf32> to vector<1000x20xf32>
    %add3A_103 = arith.addf %dot_general3A_98, %add3A_102 : vector<1000x20xf32>
    %get3A_104 = arith.constant 0 : index
    %get3A_105 = arith.constant 0 : index
    %get3A_106 = vector.load %arg3[%get3A_104, %get3A_105] : memref<1000x20xf32, #tpu.memory_space<vmem>>, vector<1000x20xf32>
    %iota3A_107 = tpu.iota {dimensions = array<i32: 1>} : vector<1000x20xi32>
    %reduce_max3A = arith.constant dense<0xFF800000> : vector<1000xf32>
    %reduce_max3A_108 = vector.multi_reduction <maximumf>, %get3A_106, %reduce_max3A [1] : vector<1000x20xf32> to vector<1000xf32>
    %broadcast_in_dim3A_109 = vector.shape_cast %reduce_max3A_108 : vector<1000xf32> to vector<1000x1xf32>
    %eq3A_110 = vector.broadcast %broadcast_in_dim3A_109 : vector<1000x1xf32> to vector<1000x20xf32>
    %eq3A_111 = arith.cmpf oeq, %get3A_106, %eq3A_110 : vector<1000x20xf32>
    %jit3A = arith.constant 20 : i32
    %broadcast_in_dim3A_112 = vector.broadcast %jit3A : i32 to vector<1000x20xi32>
    %select_n3A = arith.select %eq3A_111, %iota3A_107, %broadcast_in_dim3A_112 : vector<1000x20xi1>, vector<1000x20xi32>
    %reduce_min3A = arith.constant dense<2147483647> : vector<1000xi32>
    %reduce_min3A_113 = vector.multi_reduction <minsi>, %select_n3A, %reduce_min3A [1] : vector<1000x20xi32> to vector<1000xi32>
    %broadcast_in_dim3A_114 = vector.shape_cast %reduce_min3A_113 : vector<1000xi32> to vector<1000x1xi32>
    %eq3A_115 = vector.broadcast %broadcast_in_dim3A_114 : vector<1000x1xi32> to vector<1000x20xi32>
    %eq3A_116 = arith.cmpi eq, %iota3A_107, %eq3A_115 : vector<1000x20xi32>
    %jit3A_117 = arith.constant 0.000000e+00 : f32
    %broadcast_in_dim3A_118 = vector.broadcast %jit3A_117 : f32 to vector<1000x20xf32>
    %select_n3A_119 = arith.select %eq3A_116, %add3A_103, %broadcast_in_dim3A_118 : vector<1000x20xi1>, vector<1000x20xf32>
    %reduce_sum3A = arith.constant dense<0.000000e+00> : vector<1000xf32>
    %reduce_sum3A_120 = vector.multi_reduction <add>, %select_n3A_119, %reduce_sum3A [1] : vector<1000x20xf32> to vector<1000xf32>
    %broadcast_in_dim3A_121 = vector.shape_cast %reduce_sum3A_120 : vector<1000xf32> to vector<1000x1xf32>
    %iota3A_122 = tpu.iota {dimensions = array<i32: 1>} : vector<1000x32xi32>
    %get3A_123 = arith.constant 0 : index
    %get3A_124 = arith.constant 0 : index
    %get3A_125 = vector.load %arg4[%get3A_123, %get3A_124] : memref<1000x1xi32, #tpu.memory_space<vmem>>, vector<1000x1xi32>
    %eq3A_126 = vector.broadcast %get3A_125 : vector<1000x1xi32> to vector<1000x32xi32>
    %eq3A_127 = arith.cmpi eq, %eq3A_126, %iota3A_122 : vector<1000x32xi32>
    %convert_element_type3A_128 = arith.extui %eq3A_127 : vector<1000x32xi1> to vector<1000x32xi32>
    %convert_element_type3A_129 = arith.sitofp %convert_element_type3A_128 : vector<1000x32xi32> to vector<1000x32xf32>
    %broadcast_in_dim3A_130 = arith.constant 1.000000e+00 : f32
    %broadcast_in_dim3A_131 = vector.broadcast %broadcast_in_dim3A_130 : f32 to vector<1000x1xf32>
    %concatenate3A = tpu.concatenate %broadcast_in_dim3A_121, %broadcast_in_dim3A_131 in 1 : vector<1000x1xf32>, vector<1000x1xf32> -> vector<1000x2xf32>
    %dot_general3A_132 = arith.constant dense<0.000000e+00> : vector<32x2xf32>
    %dot_general3A_133 = tpu.matmul %convert_element_type3A_129, %concatenate3A, %dot_general3A_132 {dimension_numbers = #tpu.dot_dimension_numbers<[0], [0], [1], [1], [0, 1, 1, 1], [], []>, transpose_lhs_hint = false} : vector<1000x32xf32>, vector<1000x2xf32>, vector<32x2xf32> -> vector<32x2xf32>
    %get3A_134 = arith.constant 0 : index
    %get3A_135 = arith.constant 0 : index
    %get3A_136 = vector.load %arg25[%get3A_134, %get3A_135] : memref<32x128xf32, #tpu.memory_space<vmem>>, vector<32x2xf32>
    %add3A_137 = arith.addf %get3A_136, %dot_general3A_133 : vector<32x2xf32>
    %swap3A = arith.constant 0 : index
    %swap3A_138 = arith.constant 0 : index
    %swap3A_139 = vector.load %arg25[%swap3A, %swap3A_138] : memref<32x128xf32, #tpu.memory_space<vmem>>, vector<32x2xf32>
    tpu.vector_store %arg25[%swap3A, %swap3A_138], %add3A_137 {strides = array<i32>} : memref<32x128xf32, #tpu.memory_space<vmem>>, vector<32x2xf32>,
    %eq3A_140 = arith.constant 9 : i32
    %eq3A_141 = arith.cmpi eq, %arg0, %eq3A_140 : i32
    %convert_element_type3A_142 = arith.extui %eq3A_141 : i1 to i32
    %cond3A_143 = arith.constant 0 : i32
    %cond3A_144 = arith.cmpi ne, %convert_element_type3A_142, %cond3A_143 : i32
    scf.if %cond3A_144 {
      %get3A_145 = arith.constant 0 : index
      %get3A_146 = arith.constant 0 : index
      %get3A_147 = vector.load %arg25[%get3A_145, %get3A_146] : memref<32x128xf32, #tpu.memory_space<vmem>>, vector<32x1xf32>
      %get3A_148 = arith.constant 0 : index
      %get3A_149 = arith.constant 1 : index
      %get3A_150 = vector.load %arg25[%get3A_148, %get3A_149] : memref<32x128xf32, #tpu.memory_space<vmem>>, vector<32x1xf32>
      %max3A_151 = arith.constant 1.000000e+00 : f32
      %max3A_152 = vector.broadcast %max3A_151 : f32 to vector<32x1xf32>
      %max3A_153 = arith.maximumf %get3A_150, %max3A_152 : vector<32x1xf32>
      %div3A = arith.divf %get3A_147, %max3A_153 : vector<32x1xf32>
      %swap3A_154 = arith.constant 0 : index
      %swap3A_155 = arith.constant 0 : index
      %swap3A_156 = vector.load %arg24[%swap3A_154, %swap3A_155] : memref<32x1xf32, #tpu.memory_space<vmem>>, vector<32x1xf32>
      tpu.vector_store %arg24[%swap3A_154, %swap3A_155], %div3A {strides = array<i32>} : memref<32x1xf32, #tpu.memory_space<vmem>>, vector<32x1xf32>,
    } else {
    }
    return
  }
  func.func @transform_0(%arg0: i32) -> (i32, i32, i32) {
    %c0_i32 = arith.constant 0 : i32
    %c0_i32_0 = arith.constant 0 : i32
    %c0_i32_1 = arith.constant 0 : i32
    return %c0_i32, %arg0, %c0_i32_0 : i32, i32, i32
  }
  func.func @transform_1(%arg0: i32) -> (i32, i32) {
    %c0_i32 = arith.constant 0 : i32
    %c0_i32_0 = arith.constant 0 : i32
    return %arg0, %c0_i32 : i32, i32
  }
  func.func @transform_2(%arg0: i32) -> (i32, i32) {
    %c0_i32 = arith.constant 0 : i32
    %c0_i32_0 = arith.constant 0 : i32
    return %arg0, %c0_i32 : i32, i32
  }
  func.func @transform_3(%arg0: i32) -> (i32, i32) {
    %c0_i32 = arith.constant 0 : i32
    %c0_i32_0 = arith.constant 0 : i32
    return %arg0, %c0_i32 : i32, i32
  }
  func.func @transform_4(%arg0: i32) -> (i32, i32) {
    %c0_i32 = arith.constant 0 : i32
    %c0_i32_0 = arith.constant 0 : i32
    %c0_i32_1 = arith.constant 0 : i32
    return %c0_i32, %c0_i32_0 : i32, i32
  }
  func.func @transform_5(%arg0: i32) -> (i32, i32) {
    %c0_i32 = arith.constant 0 : i32
    %c0_i32_0 = arith.constant 0 : i32
    %c0_i32_1 = arith.constant 0 : i32
    return %c0_i32, %c0_i32_0 : i32, i32
  }
  func.func @transform_6(%arg0: i32) -> (i32, i32) {
    %c0_i32 = arith.constant 0 : i32
    %c0_i32_0 = arith.constant 0 : i32
    %c0_i32_1 = arith.constant 0 : i32
    return %c0_i32, %c0_i32_0 : i32, i32
  }
  func.func @transform_7(%arg0: i32) -> (i32, i32) {
    %c0_i32 = arith.constant 0 : i32
    %c0_i32_0 = arith.constant 0 : i32
    %c0_i32_1 = arith.constant 0 : i32
    return %c0_i32, %c0_i32_0 : i32, i32
  }
  func.func @transform_8(%arg0: i32) -> (i32, i32) {
    %c0_i32 = arith.constant 0 : i32
    %c0_i32_0 = arith.constant 0 : i32
    %c0_i32_1 = arith.constant 0 : i32
    return %c0_i32, %c0_i32_0 : i32, i32
  }
  func.func @transform_9(%arg0: i32) -> (i32, i32) {
    %c0_i32 = arith.constant 0 : i32
    %c0_i32_0 = arith.constant 0 : i32
    %c0_i32_1 = arith.constant 0 : i32
    return %c0_i32, %c0_i32_0 : i32, i32
  }
  func.func @transform_10(%arg0: i32) -> (i32, i32) {
    %c0_i32 = arith.constant 0 : i32
    %c0_i32_0 = arith.constant 0 : i32
    %c0_i32_1 = arith.constant 0 : i32
    return %c0_i32, %c0_i32_0 : i32, i32
  }
  func.func @transform_11(%arg0: i32) -> (i32, i32) {
    %c0_i32 = arith.constant 0 : i32
    %c0_i32_0 = arith.constant 0 : i32
    %c0_i32_1 = arith.constant 0 : i32
    return %c0_i32, %c0_i32_0 : i32, i32
  }
  func.func @transform_12(%arg0: i32) -> (i32, i32) {
    %c0_i32 = arith.constant 0 : i32
    %c0_i32_0 = arith.constant 0 : i32
    %c0_i32_1 = arith.constant 0 : i32
    return %c0_i32, %c0_i32_0 : i32, i32
  }
  func.func @transform_13(%arg0: i32) -> (i32, i32) {
    %c0_i32 = arith.constant 0 : i32
    %c0_i32_0 = arith.constant 0 : i32
    %c0_i32_1 = arith.constant 0 : i32
    return %c0_i32, %c0_i32_0 : i32, i32
  }
  func.func @transform_14(%arg0: i32) -> (i32, i32) {
    %c0_i32 = arith.constant 0 : i32
    %c0_i32_0 = arith.constant 0 : i32
    %c0_i32_1 = arith.constant 0 : i32
    return %c0_i32, %c0_i32_0 : i32, i32
  }
  func.func @transform_15(%arg0: i32) -> (i32, i32, i32) {
    %c0_i32 = arith.constant 0 : i32
    %c0_i32_0 = arith.constant 0 : i32
    %c0_i32_1 = arith.constant 0 : i32
    %c0_i32_2 = arith.constant 0 : i32
    return %c0_i32, %c0_i32_0, %c0_i32_1 : i32, i32, i32
  }
  func.func @transform_16(%arg0: i32) -> (i32, i32) {
    %c0_i32 = arith.constant 0 : i32
    %c0_i32_0 = arith.constant 0 : i32
    %c0_i32_1 = arith.constant 0 : i32
    return %c0_i32, %c0_i32_0 : i32, i32
  }
  func.func @transform_17(%arg0: i32) -> (i32, i32) {
    %c0_i32 = arith.constant 0 : i32
    %c0_i32_0 = arith.constant 0 : i32
    %c0_i32_1 = arith.constant 0 : i32
    return %c0_i32, %c0_i32_0 : i32, i32
  }
  func.func @transform_18(%arg0: i32) -> (i32, i32) {
    %c0_i32 = arith.constant 0 : i32
    %c0_i32_0 = arith.constant 0 : i32
    %c0_i32_1 = arith.constant 0 : i32
    return %c0_i32, %c0_i32_0 : i32, i32
  }
  func.func @transform_19(%arg0: i32) -> (i32, i32) {
    %c0_i32 = arith.constant 0 : i32
    %c0_i32_0 = arith.constant 0 : i32
    %c0_i32_1 = arith.constant 0 : i32
    return %c0_i32, %c0_i32_0 : i32, i32
  }
  func.func @transform_20(%arg0: i32) -> (i32, i32) {
    %c0_i32 = arith.constant 0 : i32
    %c0_i32_0 = arith.constant 0 : i32
    %c0_i32_1 = arith.constant 0 : i32
    return %c0_i32, %c0_i32_0 : i32, i32
  }
  func.func @transform_21(%arg0: i32) -> (i32, i32) {
    %c0_i32 = arith.constant 0 : i32
    %c0_i32_0 = arith.constant 0 : i32
    %c0_i32_1 = arith.constant 0 : i32
    return %c0_i32, %c0_i32_0 : i32, i32
  }
  func.func @transform_22(%arg0: i32) -> (i32, i32) {
    %c0_i32 = arith.constant 0 : i32
    %c0_i32_0 = arith.constant 0 : i32
    %c0_i32_1 = arith.constant 0 : i32
    return %c0_i32, %c0_i32_0 : i32, i32
  }
  func.func @transform_23(%arg0: i32) -> (i32, i32) {
    %c0_i32 = arith.constant 0 : i32
    %c0_i32_0 = arith.constant 0 : i32
    %c0_i32_1 = arith.constant 0 : i32
    return %c0_i32, %c0_i32_0 : i32, i32
  }
}

</mosaic_0001>

<sc_bundles>
// kernel: kernel.4.cloned.1.call-start
scs
__scs_entry_jumppad:
0x0: {  	(pc) =	sbr.rel $0x88, $3  }
0x1: {  	(tag) =	ssettag $0x0;
	lr =	simm.s32 $0x1  }
0x2: {  	[smem:$0x3F84] =	sst lr;
	_ =	strace $0xD0000000  }
0x3: {  	_ = 	snop  }
0x4: {  	_ = 	snop  }
0x5: {  	_ = 	snop  }
0x6: {  	_ = 	snop  }
0x7: {  	_ = 	snop  }
__scs_overlays_trampoline_lowered:
0x8: {  	[smem:$0x3F93] =	sst s0  }
0x9: {  	[smem:$0x3F94] =	sst s1  }
0xa: {  	[smem:$0x3F95] =	sst s2  }
0xb: {  	[smem:$0x3F96] =	sst s3  }
0xc: {  	[smem:$0x3F97] =	sst s4  }
0xd: {  	[smem:$0x3F98] =	sst s5  }
0xe: {  	[smem:$0x3F99] =	sst s6  }
0xf: {  	[smem:$0x3F9A] =	sst s7  }
0x10: {  	[smem:$0x3F9B] =	sst s8  }
0x11: {  	[smem:$0x3F9C] =	sst s9;
	s0 =	simm.s32 @!p0 $0x0  }
0x12: {  	s1 =	sld [smem:$0x3F82];
	s0 =	simm.s32 @p0 $0x1  }
0x13: {  	[smem:$0x3F9D] =	sst s0;
	s0 =	simm.s32 @!p1 $0x0  }
0x14: {  	s2 =	sld [smem:$0x3F81];
	s0 =	simm.s32 @p1 $0x1  }
0x15: {  	[smem:$0x3F9E] =	sst s0;
	s0 =	simm.s32 @!p2 $0x0  }
0x16: {  	s3 =	sld [smem:$0x3FDB];
	s0 =	simm.s32 @p2 $0x1  }
0x17: {  	s4 =	simm.s32 $0x1BF5;
	[smem:$0x3FA0] =	sst s0  }
0x18: {  	s0 =	sld [smem:$0x3F83];
	_ =	swait.ge [sflag:s4], $0x0  }
0x19: {  	s7 =	sld [smem:$0x3F84]  }
0x1a: {  	s8 =	sadd.s32 $0xFFFFE003, lr  }
0x1b: {  	s9 =	sadd.s32 $0xFFFFFEF7, lr;
	s5 =	simm.s32 $0xFFFFFFFF;
	p2 =	slt.u32 s8, $0xFFFFF086  }
0x1c: {  	p1 =	slt.u32 s9, $0xF7A;
	s5 =	simm.s32 @!p2 $0x0  }
0x1d: {  	s5 =	simm.s32 @p1 $0x1;
	p0 =	seq.s32 s7, s2  }
0x1e: {  	s7 =	smul.u32 @!p0 $0xF7A, s2;
	p2 =	seq.s32 @!p0 s5, $0x0  }
0x1f: {  	s9 =	smul.u32 $0xF7A, s1;
	s8 =	simm.s32 @!p0 $0x1BF5;
	p2 =	por !p2, p0  }
0x20: {  	[sflag:s8] =	ssyncset.s32 @!p0 $0xFFFFF086;
	s6 =	sadd.s32 @!p0 s3, s7;
	s7 =	simm.s32 @!p0 $0x108  }
0x21: {  	s3 =	sadd.s32 s3, s9;
	s6 =	sadd.s32 @!p0 $0x88, s6;
	s7 =	simm.s32 @p2 $0x1082  }
0x22: {  	[simem:s7], [sflag:s8] =	dma.local @!p0 [hbm:s6], $0xF7A  }
0x23: {  	s9 =	sor.u32 $0xD0000000, s2;
	s6 =	simm.s32 $0x108;
	_ =	swait.ge @!p0 [sflag:s8], $0x0  }
0x24: {  	s3 =	sadd.s32 $0x88, s3;
	s6 =	simm.s32 @!p1 $0x1082;
	[sflag:s4] =	ssyncset.s32 $0xFFFFF086  }
0x25: {  	[simem:s6], [sflag:s4] =	dma.local [hbm:s3], $0xF7A  }
0x26: {  	[smem:$0x3F84] =	sst s1;
	(tag) =	ssettag s2;
	_ =	strace s9  }
0x27: {  	s1 =	sld [smem:$0x3F94]  }
0x28: {  	s2 =	sld [smem:$0x3F95]  }
0x29: {  	s4 =	sld [smem:$0x3F97]  }
0x2a: {  	p0 =	seq.s32 s5, $0x0;
	s5 =	sld [smem:$0x3F98]  }
0x2b: {  	s6 =	sld [smem:$0x3F99]  }
0x2c: {  	s7 =	sld [smem:$0x3F9A]  }
0x2d: {  	s3 =	simm.s32 $0x108;
	s8 =	sld [smem:$0x3F9B]  }
0x2e: {  	s3 =	simm.s32 @!p0 $0x1082;
	s9 =	sld [smem:$0x3F9C]  }
0x2f: {  	lr =	sadd.s32 s0, s3;
	s0 =	sld [smem:$0x3F93]  }
0x30: {  	s3 =	sld [smem:$0x3F96]  }
0x31: {  	[smem:$0x3F9F] =	sst s10  }
0x32: {  	s10 =	sld [smem:$0x3F9D];
	_ =	sdelay $0x3  }
0x33: {  	p0 =	seq.s32 s10, $0x1;
	s10 =	sld [smem:$0x3F9F];
	_ =	sdelay $0x3  }
0x34: {  	[smem:$0x3F9F] =	sst s10  }
0x35: {  	s10 =	sld [smem:$0x3F9E];
	_ =	sdelay $0x3  }
0x36: {  	p1 =	seq.s32 s10, $0x1;
	s10 =	sld [smem:$0x3F9F];
	_ =	sdelay $0x3  }
0x37: {  	[smem:$0x3F9F] =	sst s10  }
0x38: {  	s10 =	sld [smem:$0x3FA0]  }
0x39: {  	_ = 	snop;
	(pc) =	sbr.ind lr, $3  }
0x3a: {  	_ = 	snop  }
0x3b: {  	_ = 	snop  }
0x3c: {  	p2 =	seq.s32 s10, $0x1;
	s10 =	sld [smem:$0x3F9F]  }
0x3d: {  	_ =	shalt  }
0x3e: {  	_ =	shalt  }
0x3f: {  	_ =	shalt  }
0x40: {  	_ =	shalt  }
0x41: {  	_ =	shalt  }
0x42: {  	_ =	shalt  }
0x43: {  	_ =	shalt  }
0x44: {  	_ =	shalt  }
0x45: {  	_ =	shalt  }
0x46: {  	_ =	shalt  }
0x47: {  	_ =	shalt  }
0x48: {  	_ =	shalt  }
0x49: {  	_ =	shalt  }
0x4a: {  	_ =	shalt  }
0x4b: {  	_ =	shalt  }
0x4c: {  	_ =	shalt  }
0x4d: {  	_ =	shalt  }
0x4e: {  	_ =	shalt  }
0x4f: {  	_ =	shalt  }
0x50: {  	_ =	shalt  }
0x51: {  	_ =	shalt  }
0x52: {  	_ =	shalt  }
0x53: {  	_ =	shalt  }
0x54: {  	_ =	shalt  }
0x55: {  	_ =	shalt  }
0x56: {  	_ =	shalt  }
0x57: {  	_ =	shalt  }
0x58: {  	_ =	shalt  }
0x59: {  	_ =	shalt  }
0x5a: {  	_ =	shalt  }
0x5b: {  	_ =	shalt  }
0x5c: {  	_ =	shalt  }
0x5d: {  	_ =	shalt  }
0x5e: {  	_ =	shalt  }
0x5f: {  	_ =	shalt  }
0x60: {  	_ =	shalt  }
0x61: {  	_ =	shalt  }
0x62: {  	_ =	shalt  }
0x63: {  	_ =	shalt  }
0x64: {  	_ =	shalt  }
0x65: {  	_ =	shalt  }
0x66: {  	_ =	shalt  }
0x67: {  	_ =	shalt  }
0x68: {  	_ =	shalt  }
0x69: {  	_ =	shalt  }
0x6a: {  	_ =	shalt  }
0x6b: {  	_ =	shalt  }
0x6c: {  	_ =	shalt  }
0x6d: {  	_ =	shalt  }
0x6e: {  	_ =	shalt  }
0x6f: {  	_ =	shalt  }
0x70: {  	_ =	shalt  }
0x71: {  	_ =	shalt  }
0x72: {  	_ =	shalt  }
0x73: {  	_ =	shalt  }
0x74: {  	_ =	shalt  }
0x75: {  	_ =	shalt  }
0x76: {  	_ =	shalt  }
0x77: {  	_ =	shalt  }
0x78: {  	_ =	shalt  }
0x79: {  	_ =	shalt  }
0x7a: {  	_ =	shalt  }
0x7b: {  	_ =	shalt  }
0x7c: {  	_ =	shalt  }
0x7d: {  	_ =	shalt  }
0x7e: {  	_ =	shalt  }
0x7f: {  	_ =	shalt  }
0x80: {  	_ =	shalt  }
0x81: {  	_ =	shalt  }
0x82: {  	_ =	shalt  }
0x83: {  	_ =	shalt  }
0x84: {  	_ =	shalt  }
0x85: {  	_ =	shalt  }
0x86: {  	_ =	shalt  }
0x87: {  	_ =	shalt  }
.Lfunc_end0:
.L_simem_size_0:
called_computation_lowered:
.L_overlay_start_0:
0x88: {  	s2 =	sld [smem:$0x3FD9]  }
0x89: {  	s3 =	sld [smem:$0x3FFE];
	_ =	sdelay $0x1  }
0x8a: {  	s1 =	srdreg.scid  }
0x8b: {  	s0 =	sand.u32 $0x1, s1  }
0x8c: {  	s16 =	sshll.u32 s0, $0xA;
	s2 =	sadd.s32 s3, s2  }
0x8d: {  	s2 =	sadd.s32 s2, s16  }
0x8e: {  	[smem:$0x3FAB] =	sst s2  }
0x8f: {  	_ = 	snop  }
0x90: {  	(tm) =	ssettm $0x1  }
0x91: {  	s17 =	sld [smem:$0x3FFB];
	_ =	sdelay $0x3  }
0x92: {  	_ =	strace s17  }
0x93: {  	s2 =	sld [smem:$0x3FFC];
	_ =	sdelay $0x3  }
0x94: {  	_ =	strace s2  }
0x95: {  	s2 =	sld [smem:$0x3FFD];
	_ =	sdelay $0x3  }
0x96: {  	_ =	strace s2  }
0x97: {  	_ =	strace $0x8FFFFFFF  }
0x98: {  	s18 =	sld [smem:$0x3FDB];
	_ =	sdelay $0x1  }
0x99: {  	s19 =	simm.s32 $_scs_section_size  }
0x9a: {  	s4 =	simm.s32 $_size__tile_overlayer_lowered;
	s5 =	simm.s32 $_tile_overlayer_lowered  }
0x9b: {  	s22 =	simm.s32 $0x1BFF;
	s21 =	sshll.u32 s5, $0x1;
	s2 =	sadd.s32 s19, s18  }
0x9c: {  	s6 =	simm.s32 $0x0;
	s20 =	sshll.u32 s4, $0x1;
	s4 =	sadd.s32 s21, s2  }
0x9d: {  	[timem:s6], [sflag:s22] =	dma.local [hbm:s4], s20  }
0x9e: {  	_ =	swait.ge [sflag:s22], s20  }
0x9f: {  	s3 =	ssub.s32 $0x0, s20;
	[sflag:s22] =	ssyncset.done $0x0  }
0xa0: {  	[sflag:s22] =	ssyncadd.s32 s3;
	_ =	sdelay $0x1  }
0xa1: {  	s23 =	simm.s32 $0x1B8B  }
0xa2: {  	_ =	swait.ge [sflag:s23], $0x1  }
0xa3: {  	[sflag:s23] =	ssyncset.done $0x0  }
0xa4: {  	s25 =	simm.s32 $0x1B8E;
	s24 =	sld [smem:$0x3FFE];
	[sflag:s23] =	ssyncadd.s32 $0xFFFFFFFF  }
0xa5: {  	s26 =	simm.s32 $execute0_lowered;
	[smem:$0x3FD2] =	sst s25  }
0xa6: {  	s4 =	sshll.u32 s26, $0x1;
	_ =	strace $0x80000046;
	[dreg:$0x1] =	wrdreg $0xFFFFFFFF  }
0xa7: {  	s28 =	simm.s32 $_size_execute0_lowered;
	s2 =	sadd.s32 s2, s4;
	[dreg:$0x0] =	wrdreg $0x0  }
0xa8: {  	s4 =	sshll.u32 s28, $0x1;
	[dreg:$0x2] =	wrdreg s2  }
0xa9: {  	[dreg:$0x3] =	wrdreg s4  }
0xaa: {  	[dreg:$0x4] =	wrdreg $0xC0  }
0xab: {  	_ =	task [dreg:s6], $0x5FFFF  }
0xac: {  	[dreg:$0x1] =	wrdreg $0xFFFFFFFF  }
0xad: {  	[dreg:$0x0] =	wrdreg $0x60  }
0xae: {  	[dreg:$0x2] =	wrdreg s24  }
0xaf: {  	[dreg:$0x3] =	wrdreg $0x9  }
0xb0: {  	_ =	task.clear_ibuf [dreg:s6], $0x4FFFF;
	_ =	strace $0x90000046  }
0xb1: {  	s29 =	simm.s32 $0x9;
	_ =	strace $0x80000048  }
0xb2: {  	_ =	swait.ge [sflag:s29], $0x1  }
0xb3: {  	[sflag:s29] =	ssyncadd.s32 $0xFFFFFFFF  }
0xb4: {  	_ =	strace $0x90000048  }
0xb5: {  	_ =	sfence  }
0xb6: {  	s30 =	sld [smem:$0x0];
	_ =	sdelay $0x2  }
0xb7: {  	s31 =	sshll.u32 s1, $0xD;
	s1 =	sshrl.u32 s1, $0x2  }
0xb8: {  	s3 =	sand.u32 $0x4000, s31;
	s1 =	sadd.s32 s1, s30  }
0xb9: {  	s0 =	sor.u32 s3, s0;
	s1 =	sshll.u32 s1, $0x11  }
0xba: {  	s0 =	sor.u32 s1, s0  }
0xbb: {  	s0 =	sadd.s32 $0x8F2B, s0  }
0xbc: {  	[sflag:s0] =	ssyncadd.remote.s32 $0x1  }
0xbd: {  	_ =	sfence.sel $0xFFFF  }
0xbe: {  	[dreg:$0x0] =	wrdreg $0xFFFFFFFF;
	(pc) =	sbr.abs _section_cstart, $3  }
0xbf: {  	[dreg:$0x1] =	wrdreg $0xFFFFFFFF  }
0xc0: {  	_ =	task.clear_ibuf [dreg:s6], $0x2FFFF;
	_ =	strace $0x9FFFFFFF  }
0xc1: {  	(tm) =	ssettm $0x7FFFFFFF  }
tec
execute0_lowered:
.L_overlay_start_1:
0x0: {  	(tag) =	ssettag $0x1  }
0x1: {  	s1 =	srdreg.scid  }
0x2: {  	s0 =	stileid.u32;
	s4 =	rddreg [dreg:$0x0]  }
0x3: {  	s2 =	simm.s32 $0x0;
	s14 =	simm.s32 $0x1;
	s10 =	smul.u32 $0x94000, s0  }
0x4: {  	s15 =	simm.s32 $0x2480;
	s5 =	sand.u32 $0x1, s1;
	s12 =	smul.u32 $0x4A00, s0  }
0x5: {  	s16 =	simm.s32 $0x0;
	s3 =	sshll.u32 s0, $0x1;
	s13 =	smul.u32 $0x2500, s5  }
0x6: {  	s1 =	rddreg [dreg:$0x1];
	s6 =	sor.u32 s5, s3;
	s28 =	smul.u32 $0x4A000, s5  }
0x7: {  	[smem:$0x7FF] =	sst s2;
	s11 =	sadd.s32 $0x13400, s4;
	s7 =	smul.u32 $0x2500, s6  }
0x8: {  	_ =	strace $0x80000047;
	s24 =	ssub.s32 $0x2, s5;
	s8 =	smul.u32 $0x4A000, s6  }
0x9: {  	s3 =	sadd.s32 $0x5000, s4;
	s9 =	smul.u32 $0x4A00, s6;
	s25 =	sshrl.u32 s24, $0x1  }
0xa: {  	s29 =	sadd.s32 s13, s12;
	s12 =	simm.s32 $0x80;
	s13 =	simm.s32 $0x2D00  }
0xb: {  	s7 =	sshrl.u32 s7, $0x3;
	s8 =	sshrl.u32 s8, $0x4;
	s9 =	sadd.s32 s11, s9  }
0xc: {  	s30 =	sshll.u32 s29, $0x1;
	s23 =	sadd.s32 s7, s4;
	s7 =	ssub.s32 s24, s25  }
0xd: {  	s26 =	sadd.s32 s11, s8;
	s8 =	sadd.s32 s28, s10;
	s31 =	sadd.s32 s30, s11  }
0xe: {  	s10 =	simm.s32 $0x2;
	s4 =	sadd.s32 $0xA000, s23;
	s5 =	smax.u32 s7, $0x1  }
0xf: {  	s6 =	sadd.s32 $0x4800, s26;
	s7 =	sadd.s32 $0x4900, s9;
	s8 =	sshrl.u32 s8, $0x4  }
0x10: {  	s9 =	sadd.s32 $0x100, s31;
	s8 =	sadd.s32 s8, s11;
	s11 =	simm.s32 $0x2500  }
.LBB2_1:
0x11: {  	[tilespmem:s2], [sflag:$0x2] =	stream.linear.gather [hbm4b:s4+s2], $0x2500, $0x38;
	[tilespmem:$0x3500] =	vst v63  }
0x12: {  	_ =	swait.ge [sflag:s10], $0x2500  }
0x13: {  	[sflag:s10] =	ssyncset.done $0x0  }
0x14: {  	[sflag:s10] =	ssyncadd.s32 $0xFFFFDB00  }
0x15: {  	[tilespmem:s11], [sflag:$0x1] =	stream.indirect.gather [hbm4b:s3+s12], $0x10, s2, s12, $0xb8;
	[tilespmem:$0x3500] =	vst v63  }
0x16: {  	_ = 	snop  }
0x17: {  	[tilespmem:s13], [sflag:$0x1] =	stream.indirect.gather [hbm4b:s3+s12], $0x10, s12, s12, $0xb8;
	[tilespmem:$0x3500] =	vst v63  }
0x18: {  	_ =	swait.ge [sflag:s14], $0x800  }
0x19: {  	[sflag:s14] =	ssyncset.done $0x0  }
0x1a: {  	s17 =	sadd.s32 $0x0, s8;
	[sflag:s14] =	ssyncadd.s32 $0xFFFFF800  }
0x1b: {  	[hbm4b:s17+s2] =	stream.linear.scatter [tilespmem:s11], [sflag:$0x2], $0x800, $0x38;
	[tilespmem:$0x3500] =	vst v63  }
0x1c: {  	_ =	swait.ge [sflag:s10], $0x800  }
0x1d: {  	[sflag:s10] =	ssyncset.done $0x0  }
0x1e: {  	s30 =	simm.s32 $0x100;
	[sflag:s10] =	ssyncadd.s32 $0xFFFFF800  }
0x1f: {  	[tilespmem:s11], [sflag:$0x1] =	stream.indirect.gather [hbm4b:s3+s12], $0x10, s30, s12, $0xb8;
	[tilespmem:$0x3500] =	vst v63  }
0x20: {  	_ =	swait.ge [sflag:s14], $0x800  }
0x21: {  	[sflag:s14] =	ssyncset.done $0x0  }
0x22: {  	s31 =	sadd.s32 $0x0, s9;
	[sflag:s14] =	ssyncadd.s32 $0xFFFFF800  }
0x23: {  	[hbm4b:s31+s2] =	stream.linear.scatter [tilespmem:s13], [sflag:$0x2], $0x800, $0x38;
	[tilespmem:$0x3500] =	vst v63  }
0x24: {  	_ =	swait.ge [sflag:s10], $0x800  }
0x25: {  	s18 =	simm.s32 $0x80;
	s17 =	simm.s32 $0x200;
	[sflag:s10] =	ssyncset.done $0x0  }
.LBB2_2:
0x26: {  	p0 =	sne.s32 s17, $0x4600;
	[sflag:s10] =	ssyncadd.s32 $0xFFFFF800;
	s18 =	sadd.s32 $0x100, s18  }
0x27: {  	[tilespmem:s13], [sflag:$0x1] =	stream.indirect.gather [hbm4b:s3+s12], $0x10, s18, s12, $0xb8;
	[tilespmem:$0x3500] =	vst v63  }
0x28: {  	s19 =	smov.u32 s17;
	s17 =	sadd.s32 $0x200, s17;
	_ =	swait.ge [sflag:s14], $0x800  }
0x29: {  	[sflag:s14] =	ssyncset.done $0x0  }
0x2a: {  	s20 =	sadd.s32 s19, s8;
	[sflag:s14] =	ssyncadd.s32 $0xFFFFF800  }
0x2b: {  	[hbm4b:s20+s2] =	stream.linear.scatter [tilespmem:s11], [sflag:$0x2], $0x800, $0x38;
	[tilespmem:$0x3500] =	vst v63  }
0x2c: {  	_ =	swait.ge [sflag:s10], $0x800  }
0x2d: {  	[sflag:s10] =	ssyncset.done $0x0  }
0x2e: {  	s20 =	sadd.s32 $0x80, s18;
	[sflag:s10] =	ssyncadd.s32 $0xFFFFF800  }
0x2f: {  	[tilespmem:s11], [sflag:$0x1] =	stream.indirect.gather [hbm4b:s3+s12], $0x10, s20, s12, $0xb8;
	[tilespmem:$0x3500] =	vst v63  }
0x30: {  	_ =	swait.ge [sflag:s14], $0x800  }
.Ltmp0:
0x31: {  	[sflag:s14] =	ssyncset.done $0x0;
	(pc) =	sbr.rel @p0 .LBB2_2-.Ltmp0, $4  }
0x32: {  	s19 =	sadd.s32 s19, s9;
	[sflag:s14] =	ssyncadd.s32 $0xFFFFF800  }
0x33: {  	[hbm4b:s19+s2] =	stream.linear.scatter [tilespmem:s13], [sflag:$0x2], $0x800, $0x38;
	[tilespmem:$0x3500] =	vst v63  }
0x34: {  	_ =	swait.ge [sflag:s10], $0x800  }
0x35: {  	[sflag:s10] =	ssyncset.done $0x0  }
0x36: {  	[sflag:s10] =	ssyncadd.s32 $0xFFFFF800  }
0x37: {  	[tilespmem:s13], [sflag:$0x1] =	stream.indirect.gather [hbm4b:s3+s12], $0x10, s15, s12, $0xb8;
	[tilespmem:$0x3500] =	vst v63  }
0x38: {  	_ =	swait.ge [sflag:s14], $0x800  }
0x39: {  	[sflag:s14] =	ssyncset.done $0x0  }
0x3a: {  	[sflag:s14] =	ssyncadd.s32 $0xFFFFF800  }
0x3b: {  	[hbm4b:s6+s2] =	stream.linear.scatter [tilespmem:s11], [sflag:$0x2], $0x800, $0x38;
	[tilespmem:$0x3500] =	vst v63  }
0x3c: {  	_ =	swait.ge [sflag:s10], $0x800  }
0x3d: {  	[sflag:s10] =	ssyncset.done $0x0  }
0x3e: {  	[sflag:s10] =	ssyncadd.s32 $0xFFFFF800  }
0x3f: {  	s16 =	sadd.s32 $0x1, s16;
	_ =	swait.ge [sflag:s14], $0x800  }
0x40: {  	p0 =	sne.s32 s16, s5;
	[sflag:s14] =	ssyncset.done $0x0  }
.Ltmp1:
0x41: {  	[sflag:s14] =	ssyncadd.s32 $0xFFFFF800;
	(pc) =	sbr.rel @p0 .LBB2_1-.Ltmp1, $4  }
0x42: {  	[hbm4b:s7+s2] =	stream.linear.scatter [tilespmem:s13], [sflag:$0x2], $0x800, $0x38;
	[tilespmem:$0x3500] =	vst v63  }
0x43: {  	_ =	swait.ge [sflag:s10], $0x800  }
0x44: {  	[sflag:s10] =	ssyncset.done $0x0  }
0x45: {  	[sflag:s10] =	ssyncadd.s32 $0xFFFFF800  }
0x46: {  	_ =	sfence.sel $0x180000  }
0x47: {  	[bflag:$0x0] =	sbarrier.arrive $0xFFFF  }
0x48: {  	p0 =	sne.s32 s0, $0x0;
	_ =	strace $0x90000047  }
0x49: {  	s0 =	sadd.s32 @!p0 $0x100000, s1;
	[bflag:$0x2] =	sbarrier.arrive $0xFFFF  }
0x4a: {  	[sflag:s0] =	ssyncadd.tile.s32 @!p0 $0x1;
	_ =	shalt  }
.Lfunc_end2:
_tile_overlayer_lowered:
.L_overlay_start_2:
0x4b: {  	(tag) =	ssettag $0x2  }
0x4c: {  	s0 =	rddreg [dreg:$0x0];
	s2 =	stileid.u32  }
0x4d: {  	s1 =	rddreg [dreg:$0x1];
	p0 =	sne.s32 s2, $0x0  }
0x4e: {  	s3 =	rddreg [dreg:$0x2];
	[bflag:$0x3] =	sbarrier.arrive $0xFFFF;
	s2 =	simm.s32 @!p0 $0x1C02  }
0x4f: {  	[timem:s3], [sflag:s2] =	dma.local @!p0 [hbm:s0], s1  }
0x50: {  	s0 =	simm.s32 @!p0 $0x2  }
0x51: {  	_ =	swait.ge @!p0 [sflag:s0], s1  }
0x52: {  	s1 =	ssub.s32 @!p0 $0x0, s1;
	[sflag:s0] =	ssyncset.done @!p0 $0x0  }
0x53: {  	[sflag:s0] =	ssyncadd.s32 @!p0 s1  }
0x54: {  	[bflag:$0x3] =	sbarrier.arrive $0xFFFF  }
0x55: {  	_ =	shalt  }

</sc_bundles>
